<compile_context>
chip_gen: v7x
topology: tpu7x:2x2x1
jax: 0.10.2.dev20260603
libtpu: 0.0.44.dev20260713+nightly
codegen_flags: <defaults>
</compile_context>

<pallas_src>
import jax
import jax.numpy as jnp
from jax import lax
from jax.experimental import pallas as pl
from jax.experimental.pallas import tpu as pltpu
from jax.experimental.pallas import tpu_sc as plsc

N_EDGES = 320000
D = 128
N_OUT = 10000
NC = 2
NS = 16
EDGES_PER_TILE = N_EDGES // (NC * NS)
C = 80
N_CHUNKS = EDGES_PER_TILE // C
ZR = 80
N_UNITS = N_OUT // ZR


def _sc_body(src_hbm, idx_hbm, out_hbm, idx_v, row_v0, row_v1, row_v2,
             acc, sem0, sem1, sem2, wsem):
    cid = lax.axis_index("c")
    sid = lax.axis_index("s")
    wid = cid * NS + sid
    base = wid * EDGES_PER_TILE

    pltpu.async_copy(src_hbm.at[pl.ds(base, C)], row_v0, sem0)
    pltpu.async_copy(src_hbm.at[pl.ds(base + C, C)], row_v1, sem1)

    zero_v = row_v2
    z = jnp.zeros((16,), jnp.float32)

    def zero_row(r, carry):
        for j in range(D // 16):
            zero_v[r, pl.ds(16 * j, 16)] = z
        return carry

    lax.fori_loop(0, ZR, zero_row, 0)
    for k in range(pl.cdiv(N_UNITS, NS)):
        u = sid + k * NS

        @pl.when(u < N_UNITS)
        def _():
            r = pl.multiple_of(u * ZR, ZR)
            pltpu.async_copy(zero_v, acc.at[pl.ds(r, ZR)], wsem)

    for k in range(pl.cdiv(N_UNITS, NS)):
        u = sid + k * NS

        @pl.when(u < N_UNITS)
        def _():
            r = pl.multiple_of(u * ZR, ZR)
            pltpu.make_async_copy(zero_v, acc.at[pl.ds(r, ZR)], wsem).wait()

    pltpu.sync_copy(idx_hbm.at[wid], idx_v)
    plsc.subcore_barrier()

    def load(it, buf, sem):
        pltpu.async_copy(src_hbm.at[pl.ds(base + it * C, C)], buf, sem)

    def drain(buf, sem):
        pltpu.make_async_copy(src_hbm.at[pl.ds(0, C)], buf, sem).wait()

    def scatter(it, buf):
        pltpu.sync_copy(buf, acc.at[idx_v.at[it]], add=True)

    def step(it, carry):
        def one(cur_buf, cur_sem, prev_buf, prev_sem):
            drain(cur_buf, cur_sem)

            @pl.when(it + 2 < N_CHUNKS)
            def _():
                load(it + 2, prev_buf, prev_sem)

            scatter(it, cur_buf)

        @pl.when(it % 3 == 0)
        def _():
            one(row_v0, sem0, row_v2, sem2)

        @pl.when(it % 3 == 1)
        def _():
            one(row_v1, sem1, row_v0, sem0)

        @pl.when(it % 3 == 2)
        def _():
            one(row_v2, sem2, row_v1, sem1)

        return carry

    lax.fori_loop(0, N_CHUNKS, step, 0)
    plsc.subcore_barrier()

    for k in range(pl.cdiv(N_UNITS, NS)):
        u = sid + k * NS

        @pl.when(u < N_UNITS)
        def _():
            r = pl.multiple_of(u * ZR, ZR)
            pltpu.async_copy(acc.at[pl.ds(r, ZR)],
                             out_hbm.at[cid].at[pl.ds(r, ZR)], wsem)

    for k in range(pl.cdiv(N_UNITS, NS)):
        u = sid + k * NS

        @pl.when(u < N_UNITS)
        def _():
            r = pl.multiple_of(u * ZR, ZR)
            pltpu.make_async_copy(acc.at[pl.ds(r, ZR)],
                                  out_hbm.at[cid].at[pl.ds(r, ZR)], wsem).wait()


@jax.jit
def _sc_scatter(src, idx):
    mesh = plsc.VectorSubcoreMesh(core_axis_name="c", subcore_axis_name="s")
    return pl.kernel(
        _sc_body,
        out_type=jax.ShapeDtypeStruct((NC, N_OUT, D), jnp.float32),
        mesh=mesh,
        scratch_types=[
            pltpu.VMEM((N_CHUNKS, C), jnp.int32),
            pltpu.VMEM((C, D), jnp.float32),
            pltpu.VMEM((C, D), jnp.float32),
            pltpu.VMEM((C, D), jnp.float32),
            pltpu.VMEM_SHARED((N_OUT, D), jnp.float32),
            pltpu.SemaphoreType.DMA,
            pltpu.SemaphoreType.DMA,
            pltpu.SemaphoreType.DMA,
            pltpu.SemaphoreType.DMA,
        ],
    )(src, idx.reshape(NC * NS, N_CHUNKS, C))


def _combine_body(p_ref, o_ref):
    o_ref[...] = p_ref[0] + p_ref[1]


@jax.jit
def _combine(partials):
    return pl.pallas_call(
        _combine_body,
        out_shape=jax.ShapeDtypeStruct((N_OUT, D), jnp.float32),
    )(partials)


def kernel(src, index, dim_size):
    idx = index.astype(jnp.int32)
    partials = _sc_scatter(src, idx)
    return _combine(partials)

# --- scband reference (transcript-rebuilt; emitter-appended) ---
"""Pipeline reference for scband-onnxscatter-29463475650681 (READ-ONLY COPY).

The authoritative reference and input builder live on the scoring server;
editing this copy changes nothing except your own understanding.
"""

import jax, jax.numpy as jnp
import numpy as np

N_EDGES = 320000
D_FEAT = 128
DIM_SIZE = 10000

def setup_inputs(seed: int = 0) -> dict:
    key = jax.random.key(seed)
    k1, k2 = jax.random.split(key)
    src = jax.random.normal(k1, (N_EDGES, D_FEAT), dtype=jnp.float32)
    index = jnp.sort(jax.random.randint(k2, (N_EDGES,), 0, DIM_SIZE, dtype=jnp.int64))
    return {"src": src, "index": index, "dim_size": DIM_SIZE}

def reference(src, index, dim_size):
    # torch: output = zeros(dim_size, *src.shape[1:]); output.index_add(0, index, src)
    output = jnp.zeros((DIM_SIZE,) + src.shape[1:], dtype=src.dtype)
    output = output.at[index + (dim_size - DIM_SIZE)].add(src)
    return output

if __name__ == "__main__":
    import jax
    _d = setup_inputs()
    print(jax.jit(kernel)(*tuple(_d.values())))

</pallas_src>

<mosaic_0001>
#map = affine_map<(d0, d1) -> (0, 0)>
#map1 = affine_map<(d0, d1) -> (0, 0, 0)>
module attributes {stable_mosaic.version = 14 : i64} {
  func.func @_sc_body(%arg0: i32, %arg1: i32, %arg2: memref<320000x128xf32, #tpu.memory_space<hbm>>, %arg3: memref<32x125x80xi32, #tpu.memory_space<hbm>>, %arg4: memref<2x10000x128xf32, #tpu.memory_space<hbm>>, %arg5: memref<125x80xi32, #tpu.memory_space<vmem>>, %arg6: memref<80x128xf32, #tpu.memory_space<vmem>>, %arg7: memref<80x128xf32, #tpu.memory_space<vmem>>, %arg8: memref<80x128xf32, #tpu.memory_space<vmem>>, %arg9: memref<10000x128xf32, #tpu.memory_space<vmem_shared>>, %arg10: memref<!tpu.dma_semaphore, #tpu.memory_space<semaphore_mem>>, %arg11: memref<!tpu.dma_semaphore, #tpu.memory_space<semaphore_mem>>, %arg12: memref<!tpu.dma_semaphore, #tpu.memory_space<semaphore_mem>>, %arg13: memref<!tpu.dma_semaphore, #tpu.memory_space<semaphore_mem>>) attributes {dimension_semantics = [#tpu.dimension_semantics<core_parallel>, #tpu.dimension_semantics<subcore_parallel>], iteration_bounds = array<i64: 2, 16>, scalar_prefetch = 0 : i64, scratch_operands = 9 : i64, tpu.core_type = #tpu.core_type<sc_vector_subcore>, window_params = [{transform_indices = #map}, {transform_indices = #map1}, {transform_indices = #map1}]} {
    %mul3A = arith.constant 16 : i32
    %mul3A_0 = arith.muli %arg0, %mul3A : i32
    %add3A = arith.addi %mul3A_0, %arg1 : i32
    %mul3A_1 = arith.constant 10000 : i32
    %mul3A_2 = arith.muli %add3A, %mul3A_1 : i32
    %dma_start3A = arith.constant 0 : i32
    %dma_start3A_3 = tpu.memref_slice %arg2[%mul3A_2, %dma_start3A] : memref<320000x128xf32, #tpu.memory_space<hbm>> -> memref<80x128xf32, #tpu.memory_space<hbm>>
    %dma_start3A_4 = arith.constant 0 : i32
    %dma_start3A_5 = tpu.memref_slice %arg2[%mul3A_2, %dma_start3A_4] : memref<320000x128xf32, #tpu.memory_space<hbm>> -> memref<80x128xf32, #tpu.memory_space<hbm>>
    tpu.enqueue_dma source(%dma_start3A_5 : memref<80x128xf32, #tpu.memory_space<hbm>>) target(%arg6 : memref<80x128xf32, #tpu.memory_space<vmem>>) target_semaphore(%arg10 : memref<!tpu.dma_semaphore, #tpu.memory_space<semaphore_mem>>)
    %add3A_6 = arith.constant 80 : i32
    %add3A_7 = arith.addi %mul3A_2, %add3A_6 : i32
    %dma_start3A_8 = arith.constant 0 : i32
    %dma_start3A_9 = tpu.memref_slice %arg2[%add3A_7, %dma_start3A_8] : memref<320000x128xf32, #tpu.memory_space<hbm>> -> memref<80x128xf32, #tpu.memory_space<hbm>>
    %dma_start3A_10 = arith.constant 0 : i32
    %dma_start3A_11 = tpu.memref_slice %arg2[%add3A_7, %dma_start3A_10] : memref<320000x128xf32, #tpu.memory_space<hbm>> -> memref<80x128xf32, #tpu.memory_space<hbm>>
    tpu.enqueue_dma source(%dma_start3A_11 : memref<80x128xf32, #tpu.memory_space<hbm>>) target(%arg7 : memref<80x128xf32, #tpu.memory_space<vmem>>) target_semaphore(%arg11 : memref<!tpu.dma_semaphore, #tpu.memory_space<semaphore_mem>>)
    %broadcast_in_dim3A = arith.constant 0.000000e+00 : f32
    %broadcast_in_dim3A_12 = vector.broadcast %broadcast_in_dim3A : f32 to vector<16xf32>
    %scan3A = arith.constant 0 : i32
    %scan3A_13 = arith.constant 0 : i32
    %scan3A_14 = arith.constant 80 : i32
    %scan3A_15 = arith.addi %scan3A_13, %scan3A_14 : i32
    %scan3A_16 = arith.constant 1 : i32
    scf.for %scan3A_246 = %scan3A_13 to %scan3A_15 step %scan3A_16  : i32 {
      %swap3A = arith.index_cast %scan3A_246 : i32 to index
      %swap3A_247 = arith.constant 0 : index
      %swap3A_248 = tpu.vector_load %arg8[%swap3A, %swap3A_247] {strides = array<i32>} : memref<80x128xf32, #tpu.memory_space<vmem>>, vector<1x16xf32>,
      %swap3A_249 = vector.shape_cast %swap3A_248 : vector<1x16xf32> to vector<16xf32>
      %swap3A_250 = vector.shape_cast %broadcast_in_dim3A_12 : vector<16xf32> to vector<1x16xf32>
      tpu.vector_store %arg8[%swap3A, %swap3A_247], %swap3A_250 {strides = array<i32>} : memref<80x128xf32, #tpu.memory_space<vmem>>, vector<1x16xf32>,
      %swap3A_251 = arith.index_cast %scan3A_246 : i32 to index
      %swap3A_252 = arith.constant 16 : index
      %swap3A_253 = tpu.vector_load %arg8[%swap3A_251, %swap3A_252] {strides = array<i32>} : memref<80x128xf32, #tpu.memory_space<vmem>>, vector<1x16xf32>,
      %swap3A_254 = vector.shape_cast %swap3A_253 : vector<1x16xf32> to vector<16xf32>
      %swap3A_255 = vector.shape_cast %broadcast_in_dim3A_12 : vector<16xf32> to vector<1x16xf32>
      tpu.vector_store %arg8[%swap3A_251, %swap3A_252], %swap3A_255 {strides = array<i32>} : memref<80x128xf32, #tpu.memory_space<vmem>>, vector<1x16xf32>,
      %swap3A_256 = arith.index_cast %scan3A_246 : i32 to index
      %swap3A_257 = arith.constant 32 : index
      %swap3A_258 = tpu.vector_load %arg8[%swap3A_256, %swap3A_257] {strides = array<i32>} : memref<80x128xf32, #tpu.memory_space<vmem>>, vector<1x16xf32>,
      %swap3A_259 = vector.shape_cast %swap3A_258 : vector<1x16xf32> to vector<16xf32>
      %swap3A_260 = vector.shape_cast %broadcast_in_dim3A_12 : vector<16xf32> to vector<1x16xf32>
      tpu.vector_store %arg8[%swap3A_256, %swap3A_257], %swap3A_260 {strides = array<i32>} : memref<80x128xf32, #tpu.memory_space<vmem>>, vector<1x16xf32>,
      %swap3A_261 = arith.index_cast %scan3A_246 : i32 to index
      %swap3A_262 = arith.constant 48 : index
      %swap3A_263 = tpu.vector_load %arg8[%swap3A_261, %swap3A_262] {strides = array<i32>} : memref<80x128xf32, #tpu.memory_space<vmem>>, vector<1x16xf32>,
      %swap3A_264 = vector.shape_cast %swap3A_263 : vector<1x16xf32> to vector<16xf32>
      %swap3A_265 = vector.shape_cast %broadcast_in_dim3A_12 : vector<16xf32> to vector<1x16xf32>
      tpu.vector_store %arg8[%swap3A_261, %swap3A_262], %swap3A_265 {strides = array<i32>} : memref<80x128xf32, #tpu.memory_space<vmem>>, vector<1x16xf32>,
      %swap3A_266 = arith.index_cast %scan3A_246 : i32 to index
      %swap3A_267 = arith.constant 64 : index
      %swap3A_268 = tpu.vector_load %arg8[%swap3A_266, %swap3A_267] {strides = array<i32>} : memref<80x128xf32, #tpu.memory_space<vmem>>, vector<1x16xf32>,
      %swap3A_269 = vector.shape_cast %swap3A_268 : vector<1x16xf32> to vector<16xf32>
      %swap3A_270 = vector.shape_cast %broadcast_in_dim3A_12 : vector<16xf32> to vector<1x16xf32>
      tpu.vector_store %arg8[%swap3A_266, %swap3A_267], %swap3A_270 {strides = array<i32>} : memref<80x128xf32, #tpu.memory_space<vmem>>, vector<1x16xf32>,
      %swap3A_271 = arith.index_cast %scan3A_246 : i32 to index
      %swap3A_272 = arith.constant 80 : index
      %swap3A_273 = tpu.vector_load %arg8[%swap3A_271, %swap3A_272] {strides = array<i32>} : memref<80x128xf32, #tpu.memory_space<vmem>>, vector<1x16xf32>,
      %swap3A_274 = vector.shape_cast %swap3A_273 : vector<1x16xf32> to vector<16xf32>
      %swap3A_275 = vector.shape_cast %broadcast_in_dim3A_12 : vector<16xf32> to vector<1x16xf32>
      tpu.vector_store %arg8[%swap3A_271, %swap3A_272], %swap3A_275 {strides = array<i32>} : memref<80x128xf32, #tpu.memory_space<vmem>>, vector<1x16xf32>,
      %swap3A_276 = arith.index_cast %scan3A_246 : i32 to index
      %swap3A_277 = arith.constant 96 : index
      %swap3A_278 = tpu.vector_load %arg8[%swap3A_276, %swap3A_277] {strides = array<i32>} : memref<80x128xf32, #tpu.memory_space<vmem>>, vector<1x16xf32>,
      %swap3A_279 = vector.shape_cast %swap3A_278 : vector<1x16xf32> to vector<16xf32>
      %swap3A_280 = vector.shape_cast %broadcast_in_dim3A_12 : vector<16xf32> to vector<1x16xf32>
      tpu.vector_store %arg8[%swap3A_276, %swap3A_277], %swap3A_280 {strides = array<i32>} : memref<80x128xf32, #tpu.memory_space<vmem>>, vector<1x16xf32>,
      %swap3A_281 = arith.index_cast %scan3A_246 : i32 to index
      %swap3A_282 = arith.constant 112 : index
      %swap3A_283 = tpu.vector_load %arg8[%swap3A_281, %swap3A_282] {strides = array<i32>} : memref<80x128xf32, #tpu.memory_space<vmem>>, vector<1x16xf32>,
      %swap3A_284 = vector.shape_cast %swap3A_283 : vector<1x16xf32> to vector<16xf32>
      %swap3A_285 = vector.shape_cast %broadcast_in_dim3A_12 : vector<16xf32> to vector<1x16xf32>
      tpu.vector_store %arg8[%swap3A_281, %swap3A_282], %swap3A_285 {strides = array<i32>} : memref<80x128xf32, #tpu.memory_space<vmem>>, vector<1x16xf32>,
    }
    %scan3A_17 = arith.constant 80 : i32
    %add3A_18 = arith.constant 0 : i32
    %add3A_19 = arith.addi %arg1, %add3A_18 : i32
    %lt3A = arith.constant 125 : i32
    %lt3A_20 = arith.cmpi slt, %add3A_19, %lt3A : i32
    %convert_element_type3A = arith.extui %lt3A_20 : i1 to i32
    %cond3A = arith.constant 0 : i32
    %cond3A_21 = arith.cmpi ne, %convert_element_type3A, %cond3A : i32
    scf.if %cond3A_21 {
      %mul3A_246 = arith.constant 80 : i32
      %mul3A_247 = arith.muli %add3A_19, %mul3A_246 : i32
      %multiple_of3A = tpu.assume_multiple %mul3A_247, 80 : i32
      %dma_start3A_248 = arith.constant 0 : i32
      %dma_start3A_249 = tpu.memref_slice %arg9[%multiple_of3A, %dma_start3A_248] : memref<10000x128xf32, #tpu.memory_space<vmem_shared>> -> memref<80x128xf32, #tpu.memory_space<vmem_shared>>
      %dma_start3A_250 = arith.constant 0 : i32
      %dma_start3A_251 = tpu.memref_slice %arg9[%multiple_of3A, %dma_start3A_250] : memref<10000x128xf32, #tpu.memory_space<vmem_shared>> -> memref<80x128xf32, #tpu.memory_space<vmem_shared>>
      tpu.enqueue_dma source(%arg8 : memref<80x128xf32, #tpu.memory_space<vmem>>) target(%dma_start3A_251 : memref<80x128xf32, #tpu.memory_space<vmem_shared>>) target_semaphore(%arg13 : memref<!tpu.dma_semaphore, #tpu.memory_space<semaphore_mem>>)
    } else {
    }
    %add3A_22 = arith.constant 16 : i32
    %add3A_23 = arith.addi %arg1, %add3A_22 : i32
    %lt3A_24 = arith.constant 125 : i32
    %lt3A_25 = arith.cmpi slt, %add3A_23, %lt3A_24 : i32
    %convert_element_type3A_26 = arith.extui %lt3A_25 : i1 to i32
    %cond3A_27 = arith.constant 0 : i32
    %cond3A_28 = arith.cmpi ne, %convert_element_type3A_26, %cond3A_27 : i32
    scf.if %cond3A_28 {
      %mul3A_246 = arith.constant 80 : i32
      %mul3A_247 = arith.muli %add3A_23, %mul3A_246 : i32
      %multiple_of3A = tpu.assume_multiple %mul3A_247, 80 : i32
      %dma_start3A_248 = arith.constant 0 : i32
      %dma_start3A_249 = tpu.memref_slice %arg9[%multiple_of3A, %dma_start3A_248] : memref<10000x128xf32, #tpu.memory_space<vmem_shared>> -> memref<80x128xf32, #tpu.memory_space<vmem_shared>>
      %dma_start3A_250 = arith.constant 0 : i32
      %dma_start3A_251 = tpu.memref_slice %arg9[%multiple_of3A, %dma_start3A_250] : memref<10000x128xf32, #tpu.memory_space<vmem_shared>> -> memref<80x128xf32, #tpu.memory_space<vmem_shared>>
      tpu.enqueue_dma source(%arg8 : memref<80x128xf32, #tpu.memory_space<vmem>>) target(%dma_start3A_251 : memref<80x128xf32, #tpu.memory_space<vmem_shared>>) target_semaphore(%arg13 : memref<!tpu.dma_semaphore, #tpu.memory_space<semaphore_mem>>)
    } else {
    }
    %add3A_29 = arith.constant 32 : i32
    %add3A_30 = arith.addi %arg1, %add3A_29 : i32
    %lt3A_31 = arith.constant 125 : i32
    %lt3A_32 = arith.cmpi slt, %add3A_30, %lt3A_31 : i32
    %convert_element_type3A_33 = arith.extui %lt3A_32 : i1 to i32
    %cond3A_34 = arith.constant 0 : i32
    %cond3A_35 = arith.cmpi ne, %convert_element_type3A_33, %cond3A_34 : i32
    scf.if %cond3A_35 {
      %mul3A_246 = arith.constant 80 : i32
      %mul3A_247 = arith.muli %add3A_30, %mul3A_246 : i32
      %multiple_of3A = tpu.assume_multiple %mul3A_247, 80 : i32
      %dma_start3A_248 = arith.constant 0 : i32
      %dma_start3A_249 = tpu.memref_slice %arg9[%multiple_of3A, %dma_start3A_248] : memref<10000x128xf32, #tpu.memory_space<vmem_shared>> -> memref<80x128xf32, #tpu.memory_space<vmem_shared>>
      %dma_start3A_250 = arith.constant 0 : i32
      %dma_start3A_251 = tpu.memref_slice %arg9[%multiple_of3A, %dma_start3A_250] : memref<10000x128xf32, #tpu.memory_space<vmem_shared>> -> memref<80x128xf32, #tpu.memory_space<vmem_shared>>
      tpu.enqueue_dma source(%arg8 : memref<80x128xf32, #tpu.memory_space<vmem>>) target(%dma_start3A_251 : memref<80x128xf32, #tpu.memory_space<vmem_shared>>) target_semaphore(%arg13 : memref<!tpu.dma_semaphore, #tpu.memory_space<semaphore_mem>>)
    } else {
    }
    %add3A_36 = arith.constant 48 : i32
    %add3A_37 = arith.addi %arg1, %add3A_36 : i32
    %lt3A_38 = arith.constant 125 : i32
    %lt3A_39 = arith.cmpi slt, %add3A_37, %lt3A_38 : i32
    %convert_element_type3A_40 = arith.extui %lt3A_39 : i1 to i32
    %cond3A_41 = arith.constant 0 : i32
    %cond3A_42 = arith.cmpi ne, %convert_element_type3A_40, %cond3A_41 : i32
    scf.if %cond3A_42 {
      %mul3A_246 = arith.constant 80 : i32
      %mul3A_247 = arith.muli %add3A_37, %mul3A_246 : i32
      %multiple_of3A = tpu.assume_multiple %mul3A_247, 80 : i32
      %dma_start3A_248 = arith.constant 0 : i32
      %dma_start3A_249 = tpu.memref_slice %arg9[%multiple_of3A, %dma_start3A_248] : memref<10000x128xf32, #tpu.memory_space<vmem_shared>> -> memref<80x128xf32, #tpu.memory_space<vmem_shared>>
      %dma_start3A_250 = arith.constant 0 : i32
      %dma_start3A_251 = tpu.memref_slice %arg9[%multiple_of3A, %dma_start3A_250] : memref<10000x128xf32, #tpu.memory_space<vmem_shared>> -> memref<80x128xf32, #tpu.memory_space<vmem_shared>>
      tpu.enqueue_dma source(%arg8 : memref<80x128xf32, #tpu.memory_space<vmem>>) target(%dma_start3A_251 : memref<80x128xf32, #tpu.memory_space<vmem_shared>>) target_semaphore(%arg13 : memref<!tpu.dma_semaphore, #tpu.memory_space<semaphore_mem>>)
    } else {
    }
    %add3A_43 = arith.constant 64 : i32
    %add3A_44 = arith.addi %arg1, %add3A_43 : i32
    %lt3A_45 = arith.constant 125 : i32
    %lt3A_46 = arith.cmpi slt, %add3A_44, %lt3A_45 : i32
    %convert_element_type3A_47 = arith.extui %lt3A_46 : i1 to i32
    %cond3A_48 = arith.constant 0 : i32
    %cond3A_49 = arith.cmpi ne, %convert_element_type3A_47, %cond3A_48 : i32
    scf.if %cond3A_49 {
      %mul3A_246 = arith.constant 80 : i32
      %mul3A_247 = arith.muli %add3A_44, %mul3A_246 : i32
      %multiple_of3A = tpu.assume_multiple %mul3A_247, 80 : i32
      %dma_start3A_248 = arith.constant 0 : i32
      %dma_start3A_249 = tpu.memref_slice %arg9[%multiple_of3A, %dma_start3A_248] : memref<10000x128xf32, #tpu.memory_space<vmem_shared>> -> memref<80x128xf32, #tpu.memory_space<vmem_shared>>
      %dma_start3A_250 = arith.constant 0 : i32
      %dma_start3A_251 = tpu.memref_slice %arg9[%multiple_of3A, %dma_start3A_250] : memref<10000x128xf32, #tpu.memory_space<vmem_shared>> -> memref<80x128xf32, #tpu.memory_space<vmem_shared>>
      tpu.enqueue_dma source(%arg8 : memref<80x128xf32, #tpu.memory_space<vmem>>) target(%dma_start3A_251 : memref<80x128xf32, #tpu.memory_space<vmem_shared>>) target_semaphore(%arg13 : memref<!tpu.dma_semaphore, #tpu.memory_space<semaphore_mem>>)
    } else {
    }
    %add3A_50 = arith.constant 80 : i32
    %add3A_51 = arith.addi %arg1, %add3A_50 : i32
    %lt3A_52 = arith.constant 125 : i32
    %lt3A_53 = arith.cmpi slt, %add3A_51, %lt3A_52 : i32
    %convert_element_type3A_54 = arith.extui %lt3A_53 : i1 to i32
    %cond3A_55 = arith.constant 0 : i32
    %cond3A_56 = arith.cmpi ne, %convert_element_type3A_54, %cond3A_55 : i32
    scf.if %cond3A_56 {
      %mul3A_246 = arith.constant 80 : i32
      %mul3A_247 = arith.muli %add3A_51, %mul3A_246 : i32
      %multiple_of3A = tpu.assume_multiple %mul3A_247, 80 : i32
      %dma_start3A_248 = arith.constant 0 : i32
      %dma_start3A_249 = tpu.memref_slice %arg9[%multiple_of3A, %dma_start3A_248] : memref<10000x128xf32, #tpu.memory_space<vmem_shared>> -> memref<80x128xf32, #tpu.memory_space<vmem_shared>>
      %dma_start3A_250 = arith.constant 0 : i32
      %dma_start3A_251 = tpu.memref_slice %arg9[%multiple_of3A, %dma_start3A_250] : memref<10000x128xf32, #tpu.memory_space<vmem_shared>> -> memref<80x128xf32, #tpu.memory_space<vmem_shared>>
      tpu.enqueue_dma source(%arg8 : memref<80x128xf32, #tpu.memory_space<vmem>>) target(%dma_start3A_251 : memref<80x128xf32, #tpu.memory_space<vmem_shared>>) target_semaphore(%arg13 : memref<!tpu.dma_semaphore, #tpu.memory_space<semaphore_mem>>)
    } else {
    }
    %add3A_57 = arith.constant 96 : i32
    %add3A_58 = arith.addi %arg1, %add3A_57 : i32
    %lt3A_59 = arith.constant 125 : i32
    %lt3A_60 = arith.cmpi slt, %add3A_58, %lt3A_59 : i32
    %convert_element_type3A_61 = arith.extui %lt3A_60 : i1 to i32
    %cond3A_62 = arith.constant 0 : i32
    %cond3A_63 = arith.cmpi ne, %convert_element_type3A_61, %cond3A_62 : i32
    scf.if %cond3A_63 {
      %mul3A_246 = arith.constant 80 : i32
      %mul3A_247 = arith.muli %add3A_58, %mul3A_246 : i32
      %multiple_of3A = tpu.assume_multiple %mul3A_247, 80 : i32
      %dma_start3A_248 = arith.constant 0 : i32
      %dma_start3A_249 = tpu.memref_slice %arg9[%multiple_of3A, %dma_start3A_248] : memref<10000x128xf32, #tpu.memory_space<vmem_shared>> -> memref<80x128xf32, #tpu.memory_space<vmem_shared>>
      %dma_start3A_250 = arith.constant 0 : i32
      %dma_start3A_251 = tpu.memref_slice %arg9[%multiple_of3A, %dma_start3A_250] : memref<10000x128xf32, #tpu.memory_space<vmem_shared>> -> memref<80x128xf32, #tpu.memory_space<vmem_shared>>
      tpu.enqueue_dma source(%arg8 : memref<80x128xf32, #tpu.memory_space<vmem>>) target(%dma_start3A_251 : memref<80x128xf32, #tpu.memory_space<vmem_shared>>) target_semaphore(%arg13 : memref<!tpu.dma_semaphore, #tpu.memory_space<semaphore_mem>>)
    } else {
    }
    %add3A_64 = arith.constant 112 : i32
    %add3A_65 = arith.addi %arg1, %add3A_64 : i32
    %lt3A_66 = arith.constant 125 : i32
    %lt3A_67 = arith.cmpi slt, %add3A_65, %lt3A_66 : i32
    %convert_element_type3A_68 = arith.extui %lt3A_67 : i1 to i32
    %cond3A_69 = arith.constant 0 : i32
    %cond3A_70 = arith.cmpi ne, %convert_element_type3A_68, %cond3A_69 : i32
    scf.if %cond3A_70 {
      %mul3A_246 = arith.constant 80 : i32
      %mul3A_247 = arith.muli %add3A_65, %mul3A_246 : i32
      %multiple_of3A = tpu.assume_multiple %mul3A_247, 80 : i32
      %dma_start3A_248 = arith.constant 0 : i32
      %dma_start3A_249 = tpu.memref_slice %arg9[%multiple_of3A, %dma_start3A_248] : memref<10000x128xf32, #tpu.memory_space<vmem_shared>> -> memref<80x128xf32, #tpu.memory_space<vmem_shared>>
      %dma_start3A_250 = arith.constant 0 : i32
      %dma_start3A_251 = tpu.memref_slice %arg9[%multiple_of3A, %dma_start3A_250] : memref<10000x128xf32, #tpu.memory_space<vmem_shared>> -> memref<80x128xf32, #tpu.memory_space<vmem_shared>>
      tpu.enqueue_dma source(%arg8 : memref<80x128xf32, #tpu.memory_space<vmem>>) target(%dma_start3A_251 : memref<80x128xf32, #tpu.memory_space<vmem_shared>>) target_semaphore(%arg13 : memref<!tpu.dma_semaphore, #tpu.memory_space<semaphore_mem>>)
    } else {
    }
    %add3A_71 = arith.constant 0 : i32
    %add3A_72 = arith.addi %arg1, %add3A_71 : i32
    %lt3A_73 = arith.constant 125 : i32
    %lt3A_74 = arith.cmpi slt, %add3A_72, %lt3A_73 : i32
    %convert_element_type3A_75 = arith.extui %lt3A_74 : i1 to i32
    %cond3A_76 = arith.constant 0 : i32
    %cond3A_77 = arith.cmpi ne, %convert_element_type3A_75, %cond3A_76 : i32
    scf.if %cond3A_77 {
      %mul3A_246 = arith.constant 80 : i32
      %mul3A_247 = arith.muli %add3A_72, %mul3A_246 : i32
      %multiple_of3A = tpu.assume_multiple %mul3A_247, 80 : i32
      %dma_wait3A = arith.constant 0 : i32
      %dma_wait3A_248 = tpu.memref_slice %arg9[%multiple_of3A, %dma_wait3A] : memref<10000x128xf32, #tpu.memory_space<vmem_shared>> -> memref<80x128xf32, #tpu.memory_space<vmem_shared>>
      %dma_wait3A_249 = arith.constant 0 : i32
      %dma_wait3A_250 = tpu.memref_slice %arg9[%multiple_of3A, %dma_wait3A_249] : memref<10000x128xf32, #tpu.memory_space<vmem_shared>> -> memref<80x128xf32, #tpu.memory_space<vmem_shared>>
      tpu.wait_dma2 semaphore(%arg13 : memref<!tpu.dma_semaphore, #tpu.memory_space<semaphore_mem>>) src(%arg8 : memref<80x128xf32, #tpu.memory_space<vmem>>) dst(%dma_wait3A_250 : memref<80x128xf32, #tpu.memory_space<vmem_shared>>)
    } else {
    }
    %add3A_78 = arith.constant 16 : i32
    %add3A_79 = arith.addi %arg1, %add3A_78 : i32
    %lt3A_80 = arith.constant 125 : i32
    %lt3A_81 = arith.cmpi slt, %add3A_79, %lt3A_80 : i32
    %convert_element_type3A_82 = arith.extui %lt3A_81 : i1 to i32
    %cond3A_83 = arith.constant 0 : i32
    %cond3A_84 = arith.cmpi ne, %convert_element_type3A_82, %cond3A_83 : i32
    scf.if %cond3A_84 {
      %mul3A_246 = arith.constant 80 : i32
      %mul3A_247 = arith.muli %add3A_79, %mul3A_246 : i32
      %multiple_of3A = tpu.assume_multiple %mul3A_247, 80 : i32
      %dma_wait3A = arith.constant 0 : i32
      %dma_wait3A_248 = tpu.memref_slice %arg9[%multiple_of3A, %dma_wait3A] : memref<10000x128xf32, #tpu.memory_space<vmem_shared>> -> memref<80x128xf32, #tpu.memory_space<vmem_shared>>
      %dma_wait3A_249 = arith.constant 0 : i32
      %dma_wait3A_250 = tpu.memref_slice %arg9[%multiple_of3A, %dma_wait3A_249] : memref<10000x128xf32, #tpu.memory_space<vmem_shared>> -> memref<80x128xf32, #tpu.memory_space<vmem_shared>>
      tpu.wait_dma2 semaphore(%arg13 : memref<!tpu.dma_semaphore, #tpu.memory_space<semaphore_mem>>) src(%arg8 : memref<80x128xf32, #tpu.memory_space<vmem>>) dst(%dma_wait3A_250 : memref<80x128xf32, #tpu.memory_space<vmem_shared>>)
    } else {
    }
    %add3A_85 = arith.constant 32 : i32
    %add3A_86 = arith.addi %arg1, %add3A_85 : i32
    %lt3A_87 = arith.constant 125 : i32
    %lt3A_88 = arith.cmpi slt, %add3A_86, %lt3A_87 : i32
    %convert_element_type3A_89 = arith.extui %lt3A_88 : i1 to i32
    %cond3A_90 = arith.constant 0 : i32
    %cond3A_91 = arith.cmpi ne, %convert_element_type3A_89, %cond3A_90 : i32
    scf.if %cond3A_91 {
      %mul3A_246 = arith.constant 80 : i32
      %mul3A_247 = arith.muli %add3A_86, %mul3A_246 : i32
      %multiple_of3A = tpu.assume_multiple %mul3A_247, 80 : i32
      %dma_wait3A = arith.constant 0 : i32
      %dma_wait3A_248 = tpu.memref_slice %arg9[%multiple_of3A, %dma_wait3A] : memref<10000x128xf32, #tpu.memory_space<vmem_shared>> -> memref<80x128xf32, #tpu.memory_space<vmem_shared>>
      %dma_wait3A_249 = arith.constant 0 : i32
      %dma_wait3A_250 = tpu.memref_slice %arg9[%multiple_of3A, %dma_wait3A_249] : memref<10000x128xf32, #tpu.memory_space<vmem_shared>> -> memref<80x128xf32, #tpu.memory_space<vmem_shared>>
      tpu.wait_dma2 semaphore(%arg13 : memref<!tpu.dma_semaphore, #tpu.memory_space<semaphore_mem>>) src(%arg8 : memref<80x128xf32, #tpu.memory_space<vmem>>) dst(%dma_wait3A_250 : memref<80x128xf32, #tpu.memory_space<vmem_shared>>)
    } else {
    }
    %add3A_92 = arith.constant 48 : i32
    %add3A_93 = arith.addi %arg1, %add3A_92 : i32
    %lt3A_94 = arith.constant 125 : i32
    %lt3A_95 = arith.cmpi slt, %add3A_93, %lt3A_94 : i32
    %convert_element_type3A_96 = arith.extui %lt3A_95 : i1 to i32
    %cond3A_97 = arith.constant 0 : i32
    %cond3A_98 = arith.cmpi ne, %convert_element_type3A_96, %cond3A_97 : i32
    scf.if %cond3A_98 {
      %mul3A_246 = arith.constant 80 : i32
      %mul3A_247 = arith.muli %add3A_93, %mul3A_246 : i32
      %multiple_of3A = tpu.assume_multiple %mul3A_247, 80 : i32
      %dma_wait3A = arith.constant 0 : i32
      %dma_wait3A_248 = tpu.memref_slice %arg9[%multiple_of3A, %dma_wait3A] : memref<10000x128xf32, #tpu.memory_space<vmem_shared>> -> memref<80x128xf32, #tpu.memory_space<vmem_shared>>
      %dma_wait3A_249 = arith.constant 0 : i32
      %dma_wait3A_250 = tpu.memref_slice %arg9[%multiple_of3A, %dma_wait3A_249] : memref<10000x128xf32, #tpu.memory_space<vmem_shared>> -> memref<80x128xf32, #tpu.memory_space<vmem_shared>>
      tpu.wait_dma2 semaphore(%arg13 : memref<!tpu.dma_semaphore, #tpu.memory_space<semaphore_mem>>) src(%arg8 : memref<80x128xf32, #tpu.memory_space<vmem>>) dst(%dma_wait3A_250 : memref<80x128xf32, #tpu.memory_space<vmem_shared>>)
    } else {
    }
    %add3A_99 = arith.constant 64 : i32
    %add3A_100 = arith.addi %arg1, %add3A_99 : i32
    %lt3A_101 = arith.constant 125 : i32
    %lt3A_102 = arith.cmpi slt, %add3A_100, %lt3A_101 : i32
    %convert_element_type3A_103 = arith.extui %lt3A_102 : i1 to i32
    %cond3A_104 = arith.constant 0 : i32
    %cond3A_105 = arith.cmpi ne, %convert_element_type3A_103, %cond3A_104 : i32
    scf.if %cond3A_105 {
      %mul3A_246 = arith.constant 80 : i32
      %mul3A_247 = arith.muli %add3A_100, %mul3A_246 : i32
      %multiple_of3A = tpu.assume_multiple %mul3A_247, 80 : i32
      %dma_wait3A = arith.constant 0 : i32
      %dma_wait3A_248 = tpu.memref_slice %arg9[%multiple_of3A, %dma_wait3A] : memref<10000x128xf32, #tpu.memory_space<vmem_shared>> -> memref<80x128xf32, #tpu.memory_space<vmem_shared>>
      %dma_wait3A_249 = arith.constant 0 : i32
      %dma_wait3A_250 = tpu.memref_slice %arg9[%multiple_of3A, %dma_wait3A_249] : memref<10000x128xf32, #tpu.memory_space<vmem_shared>> -> memref<80x128xf32, #tpu.memory_space<vmem_shared>>
      tpu.wait_dma2 semaphore(%arg13 : memref<!tpu.dma_semaphore, #tpu.memory_space<semaphore_mem>>) src(%arg8 : memref<80x128xf32, #tpu.memory_space<vmem>>) dst(%dma_wait3A_250 : memref<80x128xf32, #tpu.memory_space<vmem_shared>>)
    } else {
    }
    %add3A_106 = arith.constant 80 : i32
    %add3A_107 = arith.addi %arg1, %add3A_106 : i32
    %lt3A_108 = arith.constant 125 : i32
    %lt3A_109 = arith.cmpi slt, %add3A_107, %lt3A_108 : i32
    %convert_element_type3A_110 = arith.extui %lt3A_109 : i1 to i32
    %cond3A_111 = arith.constant 0 : i32
    %cond3A_112 = arith.cmpi ne, %convert_element_type3A_110, %cond3A_111 : i32
    scf.if %cond3A_112 {
      %mul3A_246 = arith.constant 80 : i32
      %mul3A_247 = arith.muli %add3A_107, %mul3A_246 : i32
      %multiple_of3A = tpu.assume_multiple %mul3A_247, 80 : i32
      %dma_wait3A = arith.constant 0 : i32
      %dma_wait3A_248 = tpu.memref_slice %arg9[%multiple_of3A, %dma_wait3A] : memref<10000x128xf32, #tpu.memory_space<vmem_shared>> -> memref<80x128xf32, #tpu.memory_space<vmem_shared>>
      %dma_wait3A_249 = arith.constant 0 : i32
      %dma_wait3A_250 = tpu.memref_slice %arg9[%multiple_of3A, %dma_wait3A_249] : memref<10000x128xf32, #tpu.memory_space<vmem_shared>> -> memref<80x128xf32, #tpu.memory_space<vmem_shared>>
      tpu.wait_dma2 semaphore(%arg13 : memref<!tpu.dma_semaphore, #tpu.memory_space<semaphore_mem>>) src(%arg8 : memref<80x128xf32, #tpu.memory_space<vmem>>) dst(%dma_wait3A_250 : memref<80x128xf32, #tpu.memory_space<vmem_shared>>)
    } else {
    }
    %add3A_113 = arith.constant 96 : i32
    %add3A_114 = arith.addi %arg1, %add3A_113 : i32
    %lt3A_115 = arith.constant 125 : i32
    %lt3A_116 = arith.cmpi slt, %add3A_114, %lt3A_115 : i32
    %convert_element_type3A_117 = arith.extui %lt3A_116 : i1 to i32
    %cond3A_118 = arith.constant 0 : i32
    %cond3A_119 = arith.cmpi ne, %convert_element_type3A_117, %cond3A_118 : i32
    scf.if %cond3A_119 {
      %mul3A_246 = arith.constant 80 : i32
      %mul3A_247 = arith.muli %add3A_114, %mul3A_246 : i32
      %multiple_of3A = tpu.assume_multiple %mul3A_247, 80 : i32
      %dma_wait3A = arith.constant 0 : i32
      %dma_wait3A_248 = tpu.memref_slice %arg9[%multiple_of3A, %dma_wait3A] : memref<10000x128xf32, #tpu.memory_space<vmem_shared>> -> memref<80x128xf32, #tpu.memory_space<vmem_shared>>
      %dma_wait3A_249 = arith.constant 0 : i32
      %dma_wait3A_250 = tpu.memref_slice %arg9[%multiple_of3A, %dma_wait3A_249] : memref<10000x128xf32, #tpu.memory_space<vmem_shared>> -> memref<80x128xf32, #tpu.memory_space<vmem_shared>>
      tpu.wait_dma2 semaphore(%arg13 : memref<!tpu.dma_semaphore, #tpu.memory_space<semaphore_mem>>) src(%arg8 : memref<80x128xf32, #tpu.memory_space<vmem>>) dst(%dma_wait3A_250 : memref<80x128xf32, #tpu.memory_space<vmem_shared>>)
    } else {
    }
    %add3A_120 = arith.constant 112 : i32
    %add3A_121 = arith.addi %arg1, %add3A_120 : i32
    %lt3A_122 = arith.constant 125 : i32
    %lt3A_123 = arith.cmpi slt, %add3A_121, %lt3A_122 : i32
    %convert_element_type3A_124 = arith.extui %lt3A_123 : i1 to i32
    %cond3A_125 = arith.constant 0 : i32
    %cond3A_126 = arith.cmpi ne, %convert_element_type3A_124, %cond3A_125 : i32
    scf.if %cond3A_126 {
      %mul3A_246 = arith.constant 80 : i32
      %mul3A_247 = arith.muli %add3A_121, %mul3A_246 : i32
      %multiple_of3A = tpu.assume_multiple %mul3A_247, 80 : i32
      %dma_wait3A = arith.constant 0 : i32
      %dma_wait3A_248 = tpu.memref_slice %arg9[%multiple_of3A, %dma_wait3A] : memref<10000x128xf32, #tpu.memory_space<vmem_shared>> -> memref<80x128xf32, #tpu.memory_space<vmem_shared>>
      %dma_wait3A_249 = arith.constant 0 : i32
      %dma_wait3A_250 = tpu.memref_slice %arg9[%multiple_of3A, %dma_wait3A_249] : memref<10000x128xf32, #tpu.memory_space<vmem_shared>> -> memref<80x128xf32, #tpu.memory_space<vmem_shared>>
      tpu.wait_dma2 semaphore(%arg13 : memref<!tpu.dma_semaphore, #tpu.memory_space<semaphore_mem>>) src(%arg8 : memref<80x128xf32, #tpu.memory_space<vmem>>) dst(%dma_wait3A_250 : memref<80x128xf32, #tpu.memory_space<vmem_shared>>)
    } else {
    }
    "tpu.region"() ({
      %run_scoped3A = tpu.sem_alloc : memref<!tpu.dma_semaphore, #tpu.memory_space<semaphore_mem>>
      %dma_start3A_246 = arith.constant 0 : i32
      %dma_start3A_247 = arith.constant 0 : i32
      %dma_start3A_248 = tpu.memref_slice %arg3[%add3A, %dma_start3A_246, %dma_start3A_247] : memref<32x125x80xi32, #tpu.memory_space<hbm>> -> memref<1x125x80xi32, #tpu.memory_space<hbm>>
      %dma_start3A_249 = tpu.memref_squeeze %dma_start3A_248 : memref<1x125x80xi32, #tpu.memory_space<hbm>> -> memref<125x80xi32, #tpu.memory_space<hbm>>
      %dma_start3A_250 = arith.constant 0 : i32
      %dma_start3A_251 = arith.constant 0 : i32
      %dma_start3A_252 = tpu.memref_slice %arg3[%add3A, %dma_start3A_250, %dma_start3A_251] : memref<32x125x80xi32, #tpu.memory_space<hbm>> -> memref<1x125x80xi32, #tpu.memory_space<hbm>>
      %dma_start3A_253 = tpu.memref_squeeze %dma_start3A_252 : memref<1x125x80xi32, #tpu.memory_space<hbm>> -> memref<125x80xi32, #tpu.memory_space<hbm>>
      tpu.enqueue_dma source(%dma_start3A_253 : memref<125x80xi32, #tpu.memory_space<hbm>>) target(%arg5 : memref<125x80xi32, #tpu.memory_space<vmem>>) target_semaphore(%run_scoped3A : memref<!tpu.dma_semaphore, #tpu.memory_space<semaphore_mem>>)
      %dma_wait3A = arith.constant 0 : i32
      %dma_wait3A_254 = arith.constant 0 : i32
      %dma_wait3A_255 = tpu.memref_slice %arg3[%add3A, %dma_wait3A, %dma_wait3A_254] : memref<32x125x80xi32, #tpu.memory_space<hbm>> -> memref<1x125x80xi32, #tpu.memory_space<hbm>>
      %dma_wait3A_256 = tpu.memref_squeeze %dma_wait3A_255 : memref<1x125x80xi32, #tpu.memory_space<hbm>> -> memref<125x80xi32, #tpu.memory_space<hbm>>
      %dma_wait3A_257 = arith.constant 0 : i32
      %dma_wait3A_258 = arith.constant 0 : i32
      %dma_wait3A_259 = tpu.memref_slice %arg3[%add3A, %dma_wait3A_257, %dma_wait3A_258] : memref<32x125x80xi32, #tpu.memory_space<hbm>> -> memref<1x125x80xi32, #tpu.memory_space<hbm>>
      %dma_wait3A_260 = tpu.memref_squeeze %dma_wait3A_259 : memref<1x125x80xi32, #tpu.memory_space<hbm>> -> memref<125x80xi32, #tpu.memory_space<hbm>>
      tpu.wait_dma2 semaphore(%run_scoped3A : memref<!tpu.dma_semaphore, #tpu.memory_space<semaphore_mem>>) src(%dma_wait3A_260 : memref<125x80xi32, #tpu.memory_space<hbm>>) dst(%arg5 : memref<125x80xi32, #tpu.memory_space<vmem>>)
      tpu.yield
    }) : () -> ()
    %barrier3A = arith.constant 0 : index
    tpu.barrier barrier_id(%barrier3A)
    %scan3A_127 = arith.constant 0 : i32
    %scan3A_128 = arith.constant 0 : i32
    %scan3A_129 = arith.constant 125 : i32
    %scan3A_130 = arith.addi %scan3A_128, %scan3A_129 : i32
    %scan3A_131 = arith.constant 1 : i32
    scf.for %scan3A_246 = %scan3A_128 to %scan3A_130 step %scan3A_131  : i32 {
      %jit3A = arith.constant 3 : i32
      %eq3A = arith.constant 0 : i32
      %eq3A_247 = arith.cmpi eq, %jit3A, %eq3A : i32
      %jit3A_248 = arith.constant 1 : i32
      %select_n3A = arith.select %eq3A_247, %jit3A_248, %jit3A : i32
      %rem3A = arith.remsi %scan3A_246, %select_n3A : i32
      %ne3A = arith.constant 0 : i32
      %ne3A_249 = arith.cmpi ne, %rem3A, %ne3A : i32
      %lt3A_250 = arith.constant 0 : i32
      %lt3A_251 = arith.cmpi slt, %rem3A, %lt3A_250 : i32
      %lt3A_252 = arith.constant 0 : i32
      %lt3A_253 = arith.cmpi slt, %select_n3A, %lt3A_252 : i32
      %ne3A_254 = arith.xori %lt3A_251, %lt3A_253 : i1
      %and3A = arith.andi %ne3A_254, %ne3A_249 : i1
      %add3A_255 = arith.addi %rem3A, %select_n3A : i32
      %select_n3A_256 = arith.select %and3A, %add3A_255, %rem3A : i32
      %eq3A_257 = arith.constant 0 : i32
      %eq3A_258 = arith.cmpi eq, %select_n3A_256, %eq3A_257 : i32
      %convert_element_type3A_259 = arith.extui %eq3A_258 : i1 to i32
      %cond3A_260 = arith.constant 0 : i32
      %cond3A_261 = arith.cmpi ne, %convert_element_type3A_259, %cond3A_260 : i32
      scf.if %cond3A_261 {
        %dma_wait3A = arith.constant 0 : i32
        %dma_wait3A_304 = arith.constant 0 : i32
        %dma_wait3A_305 = tpu.memref_slice %arg2[%dma_wait3A, %dma_wait3A_304] : memref<320000x128xf32, #tpu.memory_space<hbm>> -> memref<80x128xf32, #tpu.memory_space<hbm>>
        %dma_wait3A_306 = arith.constant 0 : i32
        %dma_wait3A_307 = arith.constant 0 : i32
        %dma_wait3A_308 = tpu.memref_slice %arg2[%dma_wait3A_306, %dma_wait3A_307] : memref<320000x128xf32, #tpu.memory_space<hbm>> -> memref<80x128xf32, #tpu.memory_space<hbm>>
        tpu.wait_dma2 semaphore(%arg10 : memref<!tpu.dma_semaphore, #tpu.memory_space<semaphore_mem>>) src(%dma_wait3A_308 : memref<80x128xf32, #tpu.memory_space<hbm>>) dst(%arg6 : memref<80x128xf32, #tpu.memory_space<vmem>>)
        %add3A_309 = arith.constant 2 : i32
        %add3A_310 = arith.addi %scan3A_246, %add3A_309 : i32
        %lt3A_311 = arith.constant 125 : i32
        %lt3A_312 = arith.cmpi slt, %add3A_310, %lt3A_311 : i32
        %convert_element_type3A_313 = arith.extui %lt3A_312 : i1 to i32
        %cond3A_314 = arith.constant 0 : i32
        %cond3A_315 = arith.cmpi ne, %convert_element_type3A_313, %cond3A_314 : i32
        scf.if %cond3A_315 {
          %add3A_316 = arith.constant 2 : i32
          %add3A_317 = arith.addi %scan3A_246, %add3A_316 : i32
          %mul3A_318 = arith.constant 80 : i32
          %mul3A_319 = arith.muli %add3A_317, %mul3A_318 : i32
          %add3A_320 = arith.addi %mul3A_2, %mul3A_319 : i32
          %dma_start3A_321 = arith.constant 0 : i32
          %dma_start3A_322 = tpu.memref_slice %arg2[%add3A_320, %dma_start3A_321] : memref<320000x128xf32, #tpu.memory_space<hbm>> -> memref<80x128xf32, #tpu.memory_space<hbm>>
          %dma_start3A_323 = arith.constant 0 : i32
          %dma_start3A_324 = tpu.memref_slice %arg2[%add3A_320, %dma_start3A_323] : memref<320000x128xf32, #tpu.memory_space<hbm>> -> memref<80x128xf32, #tpu.memory_space<hbm>>
          tpu.enqueue_dma source(%dma_start3A_324 : memref<80x128xf32, #tpu.memory_space<hbm>>) target(%arg8 : memref<80x128xf32, #tpu.memory_space<vmem>>) target_semaphore(%arg12 : memref<!tpu.dma_semaphore, #tpu.memory_space<semaphore_mem>>)
        } else {
        }
        "tpu.region"() ({
          %run_scoped3A = tpu.sem_alloc : memref<!tpu.dma_semaphore, #tpu.memory_space<semaphore_mem>>
          %dma_start3A_316 = arith.constant 0 : i32
          %dma_start3A_317 = tpu.memref_slice %arg5[%scan3A_246, %dma_start3A_316] : memref<125x80xi32, #tpu.memory_space<vmem>> -> memref<1x80xi32, #tpu.memory_space<vmem>>
          %dma_start3A_318 = tpu.memref_squeeze %dma_start3A_317 : memref<1x80xi32, #tpu.memory_space<vmem>> -> memref<80xi32, #tpu.memory_space<vmem>>
          %dma_start3A_319 = arith.constant 0 : i32
          %dma_start3A_320 = arith.constant 0 : i32
          %dma_start3A_321 = tpu.memref_slice %arg9[%dma_start3A_319, %dma_start3A_320] : memref<10000x128xf32, #tpu.memory_space<vmem_shared>> -> memref<10000x128xf32, #tpu.memory_space<vmem_shared>>
          tpu.enqueue_indirect_dma source(%arg6 : memref<80x128xf32, #tpu.memory_space<vmem>>) target(%dma_start3A_321 : memref<10000x128xf32, #tpu.memory_space<vmem_shared>>) offsets(%dma_start3A_318 : memref<80xi32, #tpu.memory_space<vmem>>) semaphore(%run_scoped3A : memref<!tpu.dma_semaphore, #tpu.memory_space<semaphore_mem>>) {add = true}
          %dma_wait3A_322 = arith.constant 0 : i32
          %dma_wait3A_323 = tpu.memref_slice %arg5[%scan3A_246, %dma_wait3A_322] : memref<125x80xi32, #tpu.memory_space<vmem>> -> memref<1x80xi32, #tpu.memory_space<vmem>>
          %dma_wait3A_324 = tpu.memref_squeeze %dma_wait3A_323 : memref<1x80xi32, #tpu.memory_space<vmem>> -> memref<80xi32, #tpu.memory_space<vmem>>
          %dma_wait3A_325 = arith.constant 0 : i32
          %dma_wait3A_326 = arith.constant 0 : i32
          %dma_wait3A_327 = tpu.memref_slice %arg9[%dma_wait3A_325, %dma_wait3A_326] : memref<10000x128xf32, #tpu.memory_space<vmem_shared>> -> memref<10000x128xf32, #tpu.memory_space<vmem_shared>>
          tpu.wait_indirect_dma semaphore(%run_scoped3A : memref<!tpu.dma_semaphore, #tpu.memory_space<semaphore_mem>>) src(%arg6 : memref<80x128xf32, #tpu.memory_space<vmem>>) dst(%dma_wait3A_327 : memref<10000x128xf32, #tpu.memory_space<vmem_shared>>)
          tpu.yield
        }) : () -> ()
      } else {
      }
      %jit3A_262 = arith.constant 3 : i32
      %eq3A_263 = arith.constant 0 : i32
      %eq3A_264 = arith.cmpi eq, %jit3A_262, %eq3A_263 : i32
      %jit3A_265 = arith.constant 1 : i32
      %select_n3A_266 = arith.select %eq3A_264, %jit3A_265, %jit3A_262 : i32
      %rem3A_267 = arith.remsi %scan3A_246, %select_n3A_266 : i32
      %ne3A_268 = arith.constant 0 : i32
      %ne3A_269 = arith.cmpi ne, %rem3A_267, %ne3A_268 : i32
      %lt3A_270 = arith.constant 0 : i32
      %lt3A_271 = arith.cmpi slt, %rem3A_267, %lt3A_270 : i32
      %lt3A_272 = arith.constant 0 : i32
      %lt3A_273 = arith.cmpi slt, %select_n3A_266, %lt3A_272 : i32
      %ne3A_274 = arith.xori %lt3A_271, %lt3A_273 : i1
      %and3A_275 = arith.andi %ne3A_274, %ne3A_269 : i1
      %add3A_276 = arith.addi %rem3A_267, %select_n3A_266 : i32
      %select_n3A_277 = arith.select %and3A_275, %add3A_276, %rem3A_267 : i32
      %eq3A_278 = arith.constant 1 : i32
      %eq3A_279 = arith.cmpi eq, %select_n3A_277, %eq3A_278 : i32
      %convert_element_type3A_280 = arith.extui %eq3A_279 : i1 to i32
      %cond3A_281 = arith.constant 0 : i32
      %cond3A_282 = arith.cmpi ne, %convert_element_type3A_280, %cond3A_281 : i32
      scf.if %cond3A_282 {
        %dma_wait3A = arith.constant 0 : i32
        %dma_wait3A_304 = arith.constant 0 : i32
        %dma_wait3A_305 = tpu.memref_slice %arg2[%dma_wait3A, %dma_wait3A_304] : memref<320000x128xf32, #tpu.memory_space<hbm>> -> memref<80x128xf32, #tpu.memory_space<hbm>>
        %dma_wait3A_306 = arith.constant 0 : i32
        %dma_wait3A_307 = arith.constant 0 : i32
        %dma_wait3A_308 = tpu.memref_slice %arg2[%dma_wait3A_306, %dma_wait3A_307] : memref<320000x128xf32, #tpu.memory_space<hbm>> -> memref<80x128xf32, #tpu.memory_space<hbm>>
        tpu.wait_dma2 semaphore(%arg11 : memref<!tpu.dma_semaphore, #tpu.memory_space<semaphore_mem>>) src(%dma_wait3A_308 : memref<80x128xf32, #tpu.memory_space<hbm>>) dst(%arg7 : memref<80x128xf32, #tpu.memory_space<vmem>>)
        %add3A_309 = arith.constant 2 : i32
        %add3A_310 = arith.addi %scan3A_246, %add3A_309 : i32
        %lt3A_311 = arith.constant 125 : i32
        %lt3A_312 = arith.cmpi slt, %add3A_310, %lt3A_311 : i32
        %convert_element_type3A_313 = arith.extui %lt3A_312 : i1 to i32
        %cond3A_314 = arith.constant 0 : i32
        %cond3A_315 = arith.cmpi ne, %convert_element_type3A_313, %cond3A_314 : i32
        scf.if %cond3A_315 {
          %add3A_316 = arith.constant 2 : i32
          %add3A_317 = arith.addi %scan3A_246, %add3A_316 : i32
          %mul3A_318 = arith.constant 80 : i32
          %mul3A_319 = arith.muli %add3A_317, %mul3A_318 : i32
          %add3A_320 = arith.addi %mul3A_2, %mul3A_319 : i32
          %dma_start3A_321 = arith.constant 0 : i32
          %dma_start3A_322 = tpu.memref_slice %arg2[%add3A_320, %dma_start3A_321] : memref<320000x128xf32, #tpu.memory_space<hbm>> -> memref<80x128xf32, #tpu.memory_space<hbm>>
          %dma_start3A_323 = arith.constant 0 : i32
          %dma_start3A_324 = tpu.memref_slice %arg2[%add3A_320, %dma_start3A_323] : memref<320000x128xf32, #tpu.memory_space<hbm>> -> memref<80x128xf32, #tpu.memory_space<hbm>>
          tpu.enqueue_dma source(%dma_start3A_324 : memref<80x128xf32, #tpu.memory_space<hbm>>) target(%arg6 : memref<80x128xf32, #tpu.memory_space<vmem>>) target_semaphore(%arg10 : memref<!tpu.dma_semaphore, #tpu.memory_space<semaphore_mem>>)
        } else {
        }
        "tpu.region"() ({
          %run_scoped3A = tpu.sem_alloc : memref<!tpu.dma_semaphore, #tpu.memory_space<semaphore_mem>>
          %dma_start3A_316 = arith.constant 0 : i32
          %dma_start3A_317 = tpu.memref_slice %arg5[%scan3A_246, %dma_start3A_316] : memref<125x80xi32, #tpu.memory_space<vmem>> -> memref<1x80xi32, #tpu.memory_space<vmem>>
          %dma_start3A_318 = tpu.memref_squeeze %dma_start3A_317 : memref<1x80xi32, #tpu.memory_space<vmem>> -> memref<80xi32, #tpu.memory_space<vmem>>
          %dma_start3A_319 = arith.constant 0 : i32
          %dma_start3A_320 = arith.constant 0 : i32
          %dma_start3A_321 = tpu.memref_slice %arg9[%dma_start3A_319, %dma_start3A_320] : memref<10000x128xf32, #tpu.memory_space<vmem_shared>> -> memref<10000x128xf32, #tpu.memory_space<vmem_shared>>
          tpu.enqueue_indirect_dma source(%arg7 : memref<80x128xf32, #tpu.memory_space<vmem>>) target(%dma_start3A_321 : memref<10000x128xf32, #tpu.memory_space<vmem_shared>>) offsets(%dma_start3A_318 : memref<80xi32, #tpu.memory_space<vmem>>) semaphore(%run_scoped3A : memref<!tpu.dma_semaphore, #tpu.memory_space<semaphore_mem>>) {add = true}
          %dma_wait3A_322 = arith.constant 0 : i32
          %dma_wait3A_323 = tpu.memref_slice %arg5[%scan3A_246, %dma_wait3A_322] : memref<125x80xi32, #tpu.memory_space<vmem>> -> memref<1x80xi32, #tpu.memory_space<vmem>>
          %dma_wait3A_324 = tpu.memref_squeeze %dma_wait3A_323 : memref<1x80xi32, #tpu.memory_space<vmem>> -> memref<80xi32, #tpu.memory_space<vmem>>
          %dma_wait3A_325 = arith.constant 0 : i32
          %dma_wait3A_326 = arith.constant 0 : i32
          %dma_wait3A_327 = tpu.memref_slice %arg9[%dma_wait3A_325, %dma_wait3A_326] : memref<10000x128xf32, #tpu.memory_space<vmem_shared>> -> memref<10000x128xf32, #tpu.memory_space<vmem_shared>>
          tpu.wait_indirect_dma semaphore(%run_scoped3A : memref<!tpu.dma_semaphore, #tpu.memory_space<semaphore_mem>>) src(%arg7 : memref<80x128xf32, #tpu.memory_space<vmem>>) dst(%dma_wait3A_327 : memref<10000x128xf32, #tpu.memory_space<vmem_shared>>)
          tpu.yield
        }) : () -> ()
      } else {
      }
      %jit3A_283 = arith.constant 3 : i32
      %eq3A_284 = arith.constant 0 : i32
      %eq3A_285 = arith.cmpi eq, %jit3A_283, %eq3A_284 : i32
      %jit3A_286 = arith.constant 1 : i32
      %select_n3A_287 = arith.select %eq3A_285, %jit3A_286, %jit3A_283 : i32
      %rem3A_288 = arith.remsi %scan3A_246, %select_n3A_287 : i32
      %ne3A_289 = arith.constant 0 : i32
      %ne3A_290 = arith.cmpi ne, %rem3A_288, %ne3A_289 : i32
      %lt3A_291 = arith.constant 0 : i32
      %lt3A_292 = arith.cmpi slt, %rem3A_288, %lt3A_291 : i32
      %lt3A_293 = arith.constant 0 : i32
      %lt3A_294 = arith.cmpi slt, %select_n3A_287, %lt3A_293 : i32
      %ne3A_295 = arith.xori %lt3A_292, %lt3A_294 : i1
      %and3A_296 = arith.andi %ne3A_295, %ne3A_290 : i1
      %add3A_297 = arith.addi %rem3A_288, %select_n3A_287 : i32
      %select_n3A_298 = arith.select %and3A_296, %add3A_297, %rem3A_288 : i32
      %eq3A_299 = arith.constant 2 : i32
      %eq3A_300 = arith.cmpi eq, %select_n3A_298, %eq3A_299 : i32
      %convert_element_type3A_301 = arith.extui %eq3A_300 : i1 to i32
      %cond3A_302 = arith.constant 0 : i32
      %cond3A_303 = arith.cmpi ne, %convert_element_type3A_301, %cond3A_302 : i32
      scf.if %cond3A_303 {
        %dma_wait3A = arith.constant 0 : i32
        %dma_wait3A_304 = arith.constant 0 : i32
        %dma_wait3A_305 = tpu.memref_slice %arg2[%dma_wait3A, %dma_wait3A_304] : memref<320000x128xf32, #tpu.memory_space<hbm>> -> memref<80x128xf32, #tpu.memory_space<hbm>>
        %dma_wait3A_306 = arith.constant 0 : i32
        %dma_wait3A_307 = arith.constant 0 : i32
        %dma_wait3A_308 = tpu.memref_slice %arg2[%dma_wait3A_306, %dma_wait3A_307] : memref<320000x128xf32, #tpu.memory_space<hbm>> -> memref<80x128xf32, #tpu.memory_space<hbm>>
        tpu.wait_dma2 semaphore(%arg12 : memref<!tpu.dma_semaphore, #tpu.memory_space<semaphore_mem>>) src(%dma_wait3A_308 : memref<80x128xf32, #tpu.memory_space<hbm>>) dst(%arg8 : memref<80x128xf32, #tpu.memory_space<vmem>>)
        %add3A_309 = arith.constant 2 : i32
        %add3A_310 = arith.addi %scan3A_246, %add3A_309 : i32
        %lt3A_311 = arith.constant 125 : i32
        %lt3A_312 = arith.cmpi slt, %add3A_310, %lt3A_311 : i32
        %convert_element_type3A_313 = arith.extui %lt3A_312 : i1 to i32
        %cond3A_314 = arith.constant 0 : i32
        %cond3A_315 = arith.cmpi ne, %convert_element_type3A_313, %cond3A_314 : i32
        scf.if %cond3A_315 {
          %add3A_316 = arith.constant 2 : i32
          %add3A_317 = arith.addi %scan3A_246, %add3A_316 : i32
          %mul3A_318 = arith.constant 80 : i32
          %mul3A_319 = arith.muli %add3A_317, %mul3A_318 : i32
          %add3A_320 = arith.addi %mul3A_2, %mul3A_319 : i32
          %dma_start3A_321 = arith.constant 0 : i32
          %dma_start3A_322 = tpu.memref_slice %arg2[%add3A_320, %dma_start3A_321] : memref<320000x128xf32, #tpu.memory_space<hbm>> -> memref<80x128xf32, #tpu.memory_space<hbm>>
          %dma_start3A_323 = arith.constant 0 : i32
          %dma_start3A_324 = tpu.memref_slice %arg2[%add3A_320, %dma_start3A_323] : memref<320000x128xf32, #tpu.memory_space<hbm>> -> memref<80x128xf32, #tpu.memory_space<hbm>>
          tpu.enqueue_dma source(%dma_start3A_324 : memref<80x128xf32, #tpu.memory_space<hbm>>) target(%arg7 : memref<80x128xf32, #tpu.memory_space<vmem>>) target_semaphore(%arg11 : memref<!tpu.dma_semaphore, #tpu.memory_space<semaphore_mem>>)
        } else {
        }
        "tpu.region"() ({
          %run_scoped3A = tpu.sem_alloc : memref<!tpu.dma_semaphore, #tpu.memory_space<semaphore_mem>>
          %dma_start3A_316 = arith.constant 0 : i32
          %dma_start3A_317 = tpu.memref_slice %arg5[%scan3A_246, %dma_start3A_316] : memref<125x80xi32, #tpu.memory_space<vmem>> -> memref<1x80xi32, #tpu.memory_space<vmem>>
          %dma_start3A_318 = tpu.memref_squeeze %dma_start3A_317 : memref<1x80xi32, #tpu.memory_space<vmem>> -> memref<80xi32, #tpu.memory_space<vmem>>
          %dma_start3A_319 = arith.constant 0 : i32
          %dma_start3A_320 = arith.constant 0 : i32
          %dma_start3A_321 = tpu.memref_slice %arg9[%dma_start3A_319, %dma_start3A_320] : memref<10000x128xf32, #tpu.memory_space<vmem_shared>> -> memref<10000x128xf32, #tpu.memory_space<vmem_shared>>
          tpu.enqueue_indirect_dma source(%arg8 : memref<80x128xf32, #tpu.memory_space<vmem>>) target(%dma_start3A_321 : memref<10000x128xf32, #tpu.memory_space<vmem_shared>>) offsets(%dma_start3A_318 : memref<80xi32, #tpu.memory_space<vmem>>) semaphore(%run_scoped3A : memref<!tpu.dma_semaphore, #tpu.memory_space<semaphore_mem>>) {add = true}
          %dma_wait3A_322 = arith.constant 0 : i32
          %dma_wait3A_323 = tpu.memref_slice %arg5[%scan3A_246, %dma_wait3A_322] : memref<125x80xi32, #tpu.memory_space<vmem>> -> memref<1x80xi32, #tpu.memory_space<vmem>>
          %dma_wait3A_324 = tpu.memref_squeeze %dma_wait3A_323 : memref<1x80xi32, #tpu.memory_space<vmem>> -> memref<80xi32, #tpu.memory_space<vmem>>
          %dma_wait3A_325 = arith.constant 0 : i32
          %dma_wait3A_326 = arith.constant 0 : i32
          %dma_wait3A_327 = tpu.memref_slice %arg9[%dma_wait3A_325, %dma_wait3A_326] : memref<10000x128xf32, #tpu.memory_space<vmem_shared>> -> memref<10000x128xf32, #tpu.memory_space<vmem_shared>>
          tpu.wait_indirect_dma semaphore(%run_scoped3A : memref<!tpu.dma_semaphore, #tpu.memory_space<semaphore_mem>>) src(%arg8 : memref<80x128xf32, #tpu.memory_space<vmem>>) dst(%dma_wait3A_327 : memref<10000x128xf32, #tpu.memory_space<vmem_shared>>)
          tpu.yield
        }) : () -> ()
      } else {
      }
    }
    %scan3A_132 = arith.constant 125 : i32
    %barrier3A_133 = arith.constant 0 : index
    tpu.barrier barrier_id(%barrier3A_133)
    %add3A_134 = arith.constant 0 : i32
    %add3A_135 = arith.addi %arg1, %add3A_134 : i32
    %lt3A_136 = arith.constant 125 : i32
    %lt3A_137 = arith.cmpi slt, %add3A_135, %lt3A_136 : i32
    %convert_element_type3A_138 = arith.extui %lt3A_137 : i1 to i32
    %cond3A_139 = arith.constant 0 : i32
    %cond3A_140 = arith.cmpi ne, %convert_element_type3A_138, %cond3A_139 : i32
    scf.if %cond3A_140 {
      %mul3A_246 = arith.constant 80 : i32
      %mul3A_247 = arith.muli %add3A_135, %mul3A_246 : i32
      %multiple_of3A = tpu.assume_multiple %mul3A_247, 80 : i32
      %dma_start3A_248 = arith.constant 0 : i32
      %dma_start3A_249 = arith.constant 0 : i32
      %dma_start3A_250 = tpu.memref_slice %arg4[%arg0, %dma_start3A_248, %dma_start3A_249] : memref<2x10000x128xf32, #tpu.memory_space<hbm>> -> memref<1x10000x128xf32, #tpu.memory_space<hbm>>
      %dma_start3A_251 = tpu.memref_squeeze %dma_start3A_250 : memref<1x10000x128xf32, #tpu.memory_space<hbm>> -> memref<10000x128xf32, #tpu.memory_space<hbm>>
      %dma_start3A_252 = arith.constant 0 : i32
      %dma_start3A_253 = tpu.memref_slice %dma_start3A_251[%multiple_of3A, %dma_start3A_252] : memref<10000x128xf32, #tpu.memory_space<hbm>> -> memref<80x128xf32, #tpu.memory_space<hbm>>
      %dma_start3A_254 = arith.constant 0 : i32
      %dma_start3A_255 = tpu.memref_slice %arg9[%multiple_of3A, %dma_start3A_254] : memref<10000x128xf32, #tpu.memory_space<vmem_shared>> -> memref<80x128xf32, #tpu.memory_space<vmem_shared>>
      tpu.enqueue_dma source(%dma_start3A_255 : memref<80x128xf32, #tpu.memory_space<vmem_shared>>) target(%dma_start3A_253 : memref<80x128xf32, #tpu.memory_space<hbm>>) target_semaphore(%arg13 : memref<!tpu.dma_semaphore, #tpu.memory_space<semaphore_mem>>)
    } else {
    }
    %add3A_141 = arith.constant 16 : i32
    %add3A_142 = arith.addi %arg1, %add3A_141 : i32
    %lt3A_143 = arith.constant 125 : i32
    %lt3A_144 = arith.cmpi slt, %add3A_142, %lt3A_143 : i32
    %convert_element_type3A_145 = arith.extui %lt3A_144 : i1 to i32
    %cond3A_146 = arith.constant 0 : i32
    %cond3A_147 = arith.cmpi ne, %convert_element_type3A_145, %cond3A_146 : i32
    scf.if %cond3A_147 {
      %mul3A_246 = arith.constant 80 : i32
      %mul3A_247 = arith.muli %add3A_142, %mul3A_246 : i32
      %multiple_of3A = tpu.assume_multiple %mul3A_247, 80 : i32
      %dma_start3A_248 = arith.constant 0 : i32
      %dma_start3A_249 = arith.constant 0 : i32
      %dma_start3A_250 = tpu.memref_slice %arg4[%arg0, %dma_start3A_248, %dma_start3A_249] : memref<2x10000x128xf32, #tpu.memory_space<hbm>> -> memref<1x10000x128xf32, #tpu.memory_space<hbm>>
      %dma_start3A_251 = tpu.memref_squeeze %dma_start3A_250 : memref<1x10000x128xf32, #tpu.memory_space<hbm>> -> memref<10000x128xf32, #tpu.memory_space<hbm>>
      %dma_start3A_252 = arith.constant 0 : i32
      %dma_start3A_253 = tpu.memref_slice %dma_start3A_251[%multiple_of3A, %dma_start3A_252] : memref<10000x128xf32, #tpu.memory_space<hbm>> -> memref<80x128xf32, #tpu.memory_space<hbm>>
      %dma_start3A_254 = arith.constant 0 : i32
      %dma_start3A_255 = tpu.memref_slice %arg9[%multiple_of3A, %dma_start3A_254] : memref<10000x128xf32, #tpu.memory_space<vmem_shared>> -> memref<80x128xf32, #tpu.memory_space<vmem_shared>>
      tpu.enqueue_dma source(%dma_start3A_255 : memref<80x128xf32, #tpu.memory_space<vmem_shared>>) target(%dma_start3A_253 : memref<80x128xf32, #tpu.memory_space<hbm>>) target_semaphore(%arg13 : memref<!tpu.dma_semaphore, #tpu.memory_space<semaphore_mem>>)
    } else {
    }
    %add3A_148 = arith.constant 32 : i32
    %add3A_149 = arith.addi %arg1, %add3A_148 : i32
    %lt3A_150 = arith.constant 125 : i32
    %lt3A_151 = arith.cmpi slt, %add3A_149, %lt3A_150 : i32
    %convert_element_type3A_152 = arith.extui %lt3A_151 : i1 to i32
    %cond3A_153 = arith.constant 0 : i32
    %cond3A_154 = arith.cmpi ne, %convert_element_type3A_152, %cond3A_153 : i32
    scf.if %cond3A_154 {
      %mul3A_246 = arith.constant 80 : i32
      %mul3A_247 = arith.muli %add3A_149, %mul3A_246 : i32
      %multiple_of3A = tpu.assume_multiple %mul3A_247, 80 : i32
      %dma_start3A_248 = arith.constant 0 : i32
      %dma_start3A_249 = arith.constant 0 : i32
      %dma_start3A_250 = tpu.memref_slice %arg4[%arg0, %dma_start3A_248, %dma_start3A_249] : memref<2x10000x128xf32, #tpu.memory_space<hbm>> -> memref<1x10000x128xf32, #tpu.memory_space<hbm>>
      %dma_start3A_251 = tpu.memref_squeeze %dma_start3A_250 : memref<1x10000x128xf32, #tpu.memory_space<hbm>> -> memref<10000x128xf32, #tpu.memory_space<hbm>>
      %dma_start3A_252 = arith.constant 0 : i32
      %dma_start3A_253 = tpu.memref_slice %dma_start3A_251[%multiple_of3A, %dma_start3A_252] : memref<10000x128xf32, #tpu.memory_space<hbm>> -> memref<80x128xf32, #tpu.memory_space<hbm>>
      %dma_start3A_254 = arith.constant 0 : i32
      %dma_start3A_255 = tpu.memref_slice %arg9[%multiple_of3A, %dma_start3A_254] : memref<10000x128xf32, #tpu.memory_space<vmem_shared>> -> memref<80x128xf32, #tpu.memory_space<vmem_shared>>
      tpu.enqueue_dma source(%dma_start3A_255 : memref<80x128xf32, #tpu.memory_space<vmem_shared>>) target(%dma_start3A_253 : memref<80x128xf32, #tpu.memory_space<hbm>>) target_semaphore(%arg13 : memref<!tpu.dma_semaphore, #tpu.memory_space<semaphore_mem>>)
    } else {
    }
    %add3A_155 = arith.constant 48 : i32
    %add3A_156 = arith.addi %arg1, %add3A_155 : i32
    %lt3A_157 = arith.constant 125 : i32
    %lt3A_158 = arith.cmpi slt, %add3A_156, %lt3A_157 : i32
    %convert_element_type3A_159 = arith.extui %lt3A_158 : i1 to i32
    %cond3A_160 = arith.constant 0 : i32
    %cond3A_161 = arith.cmpi ne, %convert_element_type3A_159, %cond3A_160 : i32
    scf.if %cond3A_161 {
      %mul3A_246 = arith.constant 80 : i32
      %mul3A_247 = arith.muli %add3A_156, %mul3A_246 : i32
      %multiple_of3A = tpu.assume_multiple %mul3A_247, 80 : i32
      %dma_start3A_248 = arith.constant 0 : i32
      %dma_start3A_249 = arith.constant 0 : i32
      %dma_start3A_250 = tpu.memref_slice %arg4[%arg0, %dma_start3A_248, %dma_start3A_249] : memref<2x10000x128xf32, #tpu.memory_space<hbm>> -> memref<1x10000x128xf32, #tpu.memory_space<hbm>>
      %dma_start3A_251 = tpu.memref_squeeze %dma_start3A_250 : memref<1x10000x128xf32, #tpu.memory_space<hbm>> -> memref<10000x128xf32, #tpu.memory_space<hbm>>
      %dma_start3A_252 = arith.constant 0 : i32
      %dma_start3A_253 = tpu.memref_slice %dma_start3A_251[%multiple_of3A, %dma_start3A_252] : memref<10000x128xf32, #tpu.memory_space<hbm>> -> memref<80x128xf32, #tpu.memory_space<hbm>>
      %dma_start3A_254 = arith.constant 0 : i32
      %dma_start3A_255 = tpu.memref_slice %arg9[%multiple_of3A, %dma_start3A_254] : memref<10000x128xf32, #tpu.memory_space<vmem_shared>> -> memref<80x128xf32, #tpu.memory_space<vmem_shared>>
      tpu.enqueue_dma source(%dma_start3A_255 : memref<80x128xf32, #tpu.memory_space<vmem_shared>>) target(%dma_start3A_253 : memref<80x128xf32, #tpu.memory_space<hbm>>) target_semaphore(%arg13 : memref<!tpu.dma_semaphore, #tpu.memory_space<semaphore_mem>>)
    } else {
    }
    %add3A_162 = arith.constant 64 : i32
    %add3A_163 = arith.addi %arg1, %add3A_162 : i32
    %lt3A_164 = arith.constant 125 : i32
    %lt3A_165 = arith.cmpi slt, %add3A_163, %lt3A_164 : i32
    %convert_element_type3A_166 = arith.extui %lt3A_165 : i1 to i32
    %cond3A_167 = arith.constant 0 : i32
    %cond3A_168 = arith.cmpi ne, %convert_element_type3A_166, %cond3A_167 : i32
    scf.if %cond3A_168 {
      %mul3A_246 = arith.constant 80 : i32
      %mul3A_247 = arith.muli %add3A_163, %mul3A_246 : i32
      %multiple_of3A = tpu.assume_multiple %mul3A_247, 80 : i32
      %dma_start3A_248 = arith.constant 0 : i32
      %dma_start3A_249 = arith.constant 0 : i32
      %dma_start3A_250 = tpu.memref_slice %arg4[%arg0, %dma_start3A_248, %dma_start3A_249] : memref<2x10000x128xf32, #tpu.memory_space<hbm>> -> memref<1x10000x128xf32, #tpu.memory_space<hbm>>
      %dma_start3A_251 = tpu.memref_squeeze %dma_start3A_250 : memref<1x10000x128xf32, #tpu.memory_space<hbm>> -> memref<10000x128xf32, #tpu.memory_space<hbm>>
      %dma_start3A_252 = arith.constant 0 : i32
      %dma_start3A_253 = tpu.memref_slice %dma_start3A_251[%multiple_of3A, %dma_start3A_252] : memref<10000x128xf32, #tpu.memory_space<hbm>> -> memref<80x128xf32, #tpu.memory_space<hbm>>
      %dma_start3A_254 = arith.constant 0 : i32
      %dma_start3A_255 = tpu.memref_slice %arg9[%multiple_of3A, %dma_start3A_254] : memref<10000x128xf32, #tpu.memory_space<vmem_shared>> -> memref<80x128xf32, #tpu.memory_space<vmem_shared>>
      tpu.enqueue_dma source(%dma_start3A_255 : memref<80x128xf32, #tpu.memory_space<vmem_shared>>) target(%dma_start3A_253 : memref<80x128xf32, #tpu.memory_space<hbm>>) target_semaphore(%arg13 : memref<!tpu.dma_semaphore, #tpu.memory_space<semaphore_mem>>)
    } else {
    }
    %add3A_169 = arith.constant 80 : i32
    %add3A_170 = arith.addi %arg1, %add3A_169 : i32
    %lt3A_171 = arith.constant 125 : i32
    %lt3A_172 = arith.cmpi slt, %add3A_170, %lt3A_171 : i32
    %convert_element_type3A_173 = arith.extui %lt3A_172 : i1 to i32
    %cond3A_174 = arith.constant 0 : i32
    %cond3A_175 = arith.cmpi ne, %convert_element_type3A_173, %cond3A_174 : i32
    scf.if %cond3A_175 {
      %mul3A_246 = arith.constant 80 : i32
      %mul3A_247 = arith.muli %add3A_170, %mul3A_246 : i32
      %multiple_of3A = tpu.assume_multiple %mul3A_247, 80 : i32
      %dma_start3A_248 = arith.constant 0 : i32
      %dma_start3A_249 = arith.constant 0 : i32
      %dma_start3A_250 = tpu.memref_slice %arg4[%arg0, %dma_start3A_248, %dma_start3A_249] : memref<2x10000x128xf32, #tpu.memory_space<hbm>> -> memref<1x10000x128xf32, #tpu.memory_space<hbm>>
      %dma_start3A_251 = tpu.memref_squeeze %dma_start3A_250 : memref<1x10000x128xf32, #tpu.memory_space<hbm>> -> memref<10000x128xf32, #tpu.memory_space<hbm>>
      %dma_start3A_252 = arith.constant 0 : i32
      %dma_start3A_253 = tpu.memref_slice %dma_start3A_251[%multiple_of3A, %dma_start3A_252] : memref<10000x128xf32, #tpu.memory_space<hbm>> -> memref<80x128xf32, #tpu.memory_space<hbm>>
      %dma_start3A_254 = arith.constant 0 : i32
      %dma_start3A_255 = tpu.memref_slice %arg9[%multiple_of3A, %dma_start3A_254] : memref<10000x128xf32, #tpu.memory_space<vmem_shared>> -> memref<80x128xf32, #tpu.memory_space<vmem_shared>>
      tpu.enqueue_dma source(%dma_start3A_255 : memref<80x128xf32, #tpu.memory_space<vmem_shared>>) target(%dma_start3A_253 : memref<80x128xf32, #tpu.memory_space<hbm>>) target_semaphore(%arg13 : memref<!tpu.dma_semaphore, #tpu.memory_space<semaphore_mem>>)
    } else {
    }
    %add3A_176 = arith.constant 96 : i32
    %add3A_177 = arith.addi %arg1, %add3A_176 : i32
    %lt3A_178 = arith.constant 125 : i32
    %lt3A_179 = arith.cmpi slt, %add3A_177, %lt3A_178 : i32
    %convert_element_type3A_180 = arith.extui %lt3A_179 : i1 to i32
    %cond3A_181 = arith.constant 0 : i32
    %cond3A_182 = arith.cmpi ne, %convert_element_type3A_180, %cond3A_181 : i32
    scf.if %cond3A_182 {
      %mul3A_246 = arith.constant 80 : i32
      %mul3A_247 = arith.muli %add3A_177, %mul3A_246 : i32
      %multiple_of3A = tpu.assume_multiple %mul3A_247, 80 : i32
      %dma_start3A_248 = arith.constant 0 : i32
      %dma_start3A_249 = arith.constant 0 : i32
      %dma_start3A_250 = tpu.memref_slice %arg4[%arg0, %dma_start3A_248, %dma_start3A_249] : memref<2x10000x128xf32, #tpu.memory_space<hbm>> -> memref<1x10000x128xf32, #tpu.memory_space<hbm>>
      %dma_start3A_251 = tpu.memref_squeeze %dma_start3A_250 : memref<1x10000x128xf32, #tpu.memory_space<hbm>> -> memref<10000x128xf32, #tpu.memory_space<hbm>>
      %dma_start3A_252 = arith.constant 0 : i32
      %dma_start3A_253 = tpu.memref_slice %dma_start3A_251[%multiple_of3A, %dma_start3A_252] : memref<10000x128xf32, #tpu.memory_space<hbm>> -> memref<80x128xf32, #tpu.memory_space<hbm>>
      %dma_start3A_254 = arith.constant 0 : i32
      %dma_start3A_255 = tpu.memref_slice %arg9[%multiple_of3A, %dma_start3A_254] : memref<10000x128xf32, #tpu.memory_space<vmem_shared>> -> memref<80x128xf32, #tpu.memory_space<vmem_shared>>
      tpu.enqueue_dma source(%dma_start3A_255 : memref<80x128xf32, #tpu.memory_space<vmem_shared>>) target(%dma_start3A_253 : memref<80x128xf32, #tpu.memory_space<hbm>>) target_semaphore(%arg13 : memref<!tpu.dma_semaphore, #tpu.memory_space<semaphore_mem>>)
    } else {
    }
    %add3A_183 = arith.constant 112 : i32
    %add3A_184 = arith.addi %arg1, %add3A_183 : i32
    %lt3A_185 = arith.constant 125 : i32
    %lt3A_186 = arith.cmpi slt, %add3A_184, %lt3A_185 : i32
    %convert_element_type3A_187 = arith.extui %lt3A_186 : i1 to i32
    %cond3A_188 = arith.constant 0 : i32
    %cond3A_189 = arith.cmpi ne, %convert_element_type3A_187, %cond3A_188 : i32
    scf.if %cond3A_189 {
      %mul3A_246 = arith.constant 80 : i32
      %mul3A_247 = arith.muli %add3A_184, %mul3A_246 : i32
      %multiple_of3A = tpu.assume_multiple %mul3A_247, 80 : i32
      %dma_start3A_248 = arith.constant 0 : i32
      %dma_start3A_249 = arith.constant 0 : i32
      %dma_start3A_250 = tpu.memref_slice %arg4[%arg0, %dma_start3A_248, %dma_start3A_249] : memref<2x10000x128xf32, #tpu.memory_space<hbm>> -> memref<1x10000x128xf32, #tpu.memory_space<hbm>>
      %dma_start3A_251 = tpu.memref_squeeze %dma_start3A_250 : memref<1x10000x128xf32, #tpu.memory_space<hbm>> -> memref<10000x128xf32, #tpu.memory_space<hbm>>
      %dma_start3A_252 = arith.constant 0 : i32
      %dma_start3A_253 = tpu.memref_slice %dma_start3A_251[%multiple_of3A, %dma_start3A_252] : memref<10000x128xf32, #tpu.memory_space<hbm>> -> memref<80x128xf32, #tpu.memory_space<hbm>>
      %dma_start3A_254 = arith.constant 0 : i32
      %dma_start3A_255 = tpu.memref_slice %arg9[%multiple_of3A, %dma_start3A_254] : memref<10000x128xf32, #tpu.memory_space<vmem_shared>> -> memref<80x128xf32, #tpu.memory_space<vmem_shared>>
      tpu.enqueue_dma source(%dma_start3A_255 : memref<80x128xf32, #tpu.memory_space<vmem_shared>>) target(%dma_start3A_253 : memref<80x128xf32, #tpu.memory_space<hbm>>) target_semaphore(%arg13 : memref<!tpu.dma_semaphore, #tpu.memory_space<semaphore_mem>>)
    } else {
    }
    %add3A_190 = arith.constant 0 : i32
    %add3A_191 = arith.addi %arg1, %add3A_190 : i32
    %lt3A_192 = arith.constant 125 : i32
    %lt3A_193 = arith.cmpi slt, %add3A_191, %lt3A_192 : i32
    %convert_element_type3A_194 = arith.extui %lt3A_193 : i1 to i32
    %cond3A_195 = arith.constant 0 : i32
    %cond3A_196 = arith.cmpi ne, %convert_element_type3A_194, %cond3A_195 : i32
    scf.if %cond3A_196 {
      %mul3A_246 = arith.constant 80 : i32
      %mul3A_247 = arith.muli %add3A_191, %mul3A_246 : i32
      %multiple_of3A = tpu.assume_multiple %mul3A_247, 80 : i32
      %dma_wait3A = arith.constant 0 : i32
      %dma_wait3A_248 = arith.constant 0 : i32
      %dma_wait3A_249 = tpu.memref_slice %arg4[%arg0, %dma_wait3A, %dma_wait3A_248] : memref<2x10000x128xf32, #tpu.memory_space<hbm>> -> memref<1x10000x128xf32, #tpu.memory_space<hbm>>
      %dma_wait3A_250 = tpu.memref_squeeze %dma_wait3A_249 : memref<1x10000x128xf32, #tpu.memory_space<hbm>> -> memref<10000x128xf32, #tpu.memory_space<hbm>>
      %dma_wait3A_251 = arith.constant 0 : i32
      %dma_wait3A_252 = tpu.memref_slice %dma_wait3A_250[%multiple_of3A, %dma_wait3A_251] : memref<10000x128xf32, #tpu.memory_space<hbm>> -> memref<80x128xf32, #tpu.memory_space<hbm>>
      %dma_wait3A_253 = arith.constant 0 : i32
      %dma_wait3A_254 = tpu.memref_slice %arg9[%multiple_of3A, %dma_wait3A_253] : memref<10000x128xf32, #tpu.memory_space<vmem_shared>> -> memref<80x128xf32, #tpu.memory_space<vmem_shared>>
      tpu.wait_dma2 semaphore(%arg13 : memref<!tpu.dma_semaphore, #tpu.memory_space<semaphore_mem>>) src(%dma_wait3A_254 : memref<80x128xf32, #tpu.memory_space<vmem_shared>>) dst(%dma_wait3A_252 : memref<80x128xf32, #tpu.memory_space<hbm>>)
    } else {
    }
    %add3A_197 = arith.constant 16 : i32
    %add3A_198 = arith.addi %arg1, %add3A_197 : i32
    %lt3A_199 = arith.constant 125 : i32
    %lt3A_200 = arith.cmpi slt, %add3A_198, %lt3A_199 : i32
    %convert_element_type3A_201 = arith.extui %lt3A_200 : i1 to i32
    %cond3A_202 = arith.constant 0 : i32
    %cond3A_203 = arith.cmpi ne, %convert_element_type3A_201, %cond3A_202 : i32
    scf.if %cond3A_203 {
      %mul3A_246 = arith.constant 80 : i32
      %mul3A_247 = arith.muli %add3A_198, %mul3A_246 : i32
      %multiple_of3A = tpu.assume_multiple %mul3A_247, 80 : i32
      %dma_wait3A = arith.constant 0 : i32
      %dma_wait3A_248 = arith.constant 0 : i32
      %dma_wait3A_249 = tpu.memref_slice %arg4[%arg0, %dma_wait3A, %dma_wait3A_248] : memref<2x10000x128xf32, #tpu.memory_space<hbm>> -> memref<1x10000x128xf32, #tpu.memory_space<hbm>>
      %dma_wait3A_250 = tpu.memref_squeeze %dma_wait3A_249 : memref<1x10000x128xf32, #tpu.memory_space<hbm>> -> memref<10000x128xf32, #tpu.memory_space<hbm>>
      %dma_wait3A_251 = arith.constant 0 : i32
      %dma_wait3A_252 = tpu.memref_slice %dma_wait3A_250[%multiple_of3A, %dma_wait3A_251] : memref<10000x128xf32, #tpu.memory_space<hbm>> -> memref<80x128xf32, #tpu.memory_space<hbm>>
      %dma_wait3A_253 = arith.constant 0 : i32
      %dma_wait3A_254 = tpu.memref_slice %arg9[%multiple_of3A, %dma_wait3A_253] : memref<10000x128xf32, #tpu.memory_space<vmem_shared>> -> memref<80x128xf32, #tpu.memory_space<vmem_shared>>
      tpu.wait_dma2 semaphore(%arg13 : memref<!tpu.dma_semaphore, #tpu.memory_space<semaphore_mem>>) src(%dma_wait3A_254 : memref<80x128xf32, #tpu.memory_space<vmem_shared>>) dst(%dma_wait3A_252 : memref<80x128xf32, #tpu.memory_space<hbm>>)
    } else {
    }
    %add3A_204 = arith.constant 32 : i32
    %add3A_205 = arith.addi %arg1, %add3A_204 : i32
    %lt3A_206 = arith.constant 125 : i32
    %lt3A_207 = arith.cmpi slt, %add3A_205, %lt3A_206 : i32
    %convert_element_type3A_208 = arith.extui %lt3A_207 : i1 to i32
    %cond3A_209 = arith.constant 0 : i32
    %cond3A_210 = arith.cmpi ne, %convert_element_type3A_208, %cond3A_209 : i32
    scf.if %cond3A_210 {
      %mul3A_246 = arith.constant 80 : i32
      %mul3A_247 = arith.muli %add3A_205, %mul3A_246 : i32
      %multiple_of3A = tpu.assume_multiple %mul3A_247, 80 : i32
      %dma_wait3A = arith.constant 0 : i32
      %dma_wait3A_248 = arith.constant 0 : i32
      %dma_wait3A_249 = tpu.memref_slice %arg4[%arg0, %dma_wait3A, %dma_wait3A_248] : memref<2x10000x128xf32, #tpu.memory_space<hbm>> -> memref<1x10000x128xf32, #tpu.memory_space<hbm>>
      %dma_wait3A_250 = tpu.memref_squeeze %dma_wait3A_249 : memref<1x10000x128xf32, #tpu.memory_space<hbm>> -> memref<10000x128xf32, #tpu.memory_space<hbm>>
      %dma_wait3A_251 = arith.constant 0 : i32
      %dma_wait3A_252 = tpu.memref_slice %dma_wait3A_250[%multiple_of3A, %dma_wait3A_251] : memref<10000x128xf32, #tpu.memory_space<hbm>> -> memref<80x128xf32, #tpu.memory_space<hbm>>
      %dma_wait3A_253 = arith.constant 0 : i32
      %dma_wait3A_254 = tpu.memref_slice %arg9[%multiple_of3A, %dma_wait3A_253] : memref<10000x128xf32, #tpu.memory_space<vmem_shared>> -> memref<80x128xf32, #tpu.memory_space<vmem_shared>>
      tpu.wait_dma2 semaphore(%arg13 : memref<!tpu.dma_semaphore, #tpu.memory_space<semaphore_mem>>) src(%dma_wait3A_254 : memref<80x128xf32, #tpu.memory_space<vmem_shared>>) dst(%dma_wait3A_252 : memref<80x128xf32, #tpu.memory_space<hbm>>)
    } else {
    }
    %add3A_211 = arith.constant 48 : i32
    %add3A_212 = arith.addi %arg1, %add3A_211 : i32
    %lt3A_213 = arith.constant 125 : i32
    %lt3A_214 = arith.cmpi slt, %add3A_212, %lt3A_213 : i32
    %convert_element_type3A_215 = arith.extui %lt3A_214 : i1 to i32
    %cond3A_216 = arith.constant 0 : i32
    %cond3A_217 = arith.cmpi ne, %convert_element_type3A_215, %cond3A_216 : i32
    scf.if %cond3A_217 {
      %mul3A_246 = arith.constant 80 : i32
      %mul3A_247 = arith.muli %add3A_212, %mul3A_246 : i32
      %multiple_of3A = tpu.assume_multiple %mul3A_247, 80 : i32
      %dma_wait3A = arith.constant 0 : i32
      %dma_wait3A_248 = arith.constant 0 : i32
      %dma_wait3A_249 = tpu.memref_slice %arg4[%arg0, %dma_wait3A, %dma_wait3A_248] : memref<2x10000x128xf32, #tpu.memory_space<hbm>> -> memref<1x10000x128xf32, #tpu.memory_space<hbm>>
      %dma_wait3A_250 = tpu.memref_squeeze %dma_wait3A_249 : memref<1x10000x128xf32, #tpu.memory_space<hbm>> -> memref<10000x128xf32, #tpu.memory_space<hbm>>
      %dma_wait3A_251 = arith.constant 0 : i32
      %dma_wait3A_252 = tpu.memref_slice %dma_wait3A_250[%multiple_of3A, %dma_wait3A_251] : memref<10000x128xf32, #tpu.memory_space<hbm>> -> memref<80x128xf32, #tpu.memory_space<hbm>>
      %dma_wait3A_253 = arith.constant 0 : i32
      %dma_wait3A_254 = tpu.memref_slice %arg9[%multiple_of3A, %dma_wait3A_253] : memref<10000x128xf32, #tpu.memory_space<vmem_shared>> -> memref<80x128xf32, #tpu.memory_space<vmem_shared>>
      tpu.wait_dma2 semaphore(%arg13 : memref<!tpu.dma_semaphore, #tpu.memory_space<semaphore_mem>>) src(%dma_wait3A_254 : memref<80x128xf32, #tpu.memory_space<vmem_shared>>) dst(%dma_wait3A_252 : memref<80x128xf32, #tpu.memory_space<hbm>>)
    } else {
    }
    %add3A_218 = arith.constant 64 : i32
    %add3A_219 = arith.addi %arg1, %add3A_218 : i32
    %lt3A_220 = arith.constant 125 : i32
    %lt3A_221 = arith.cmpi slt, %add3A_219, %lt3A_220 : i32
    %convert_element_type3A_222 = arith.extui %lt3A_221 : i1 to i32
    %cond3A_223 = arith.constant 0 : i32
    %cond3A_224 = arith.cmpi ne, %convert_element_type3A_222, %cond3A_223 : i32
    scf.if %cond3A_224 {
      %mul3A_246 = arith.constant 80 : i32
      %mul3A_247 = arith.muli %add3A_219, %mul3A_246 : i32
      %multiple_of3A = tpu.assume_multiple %mul3A_247, 80 : i32
      %dma_wait3A = arith.constant 0 : i32
      %dma_wait3A_248 = arith.constant 0 : i32
      %dma_wait3A_249 = tpu.memref_slice %arg4[%arg0, %dma_wait3A, %dma_wait3A_248] : memref<2x10000x128xf32, #tpu.memory_space<hbm>> -> memref<1x10000x128xf32, #tpu.memory_space<hbm>>
      %dma_wait3A_250 = tpu.memref_squeeze %dma_wait3A_249 : memref<1x10000x128xf32, #tpu.memory_space<hbm>> -> memref<10000x128xf32, #tpu.memory_space<hbm>>
      %dma_wait3A_251 = arith.constant 0 : i32
      %dma_wait3A_252 = tpu.memref_slice %dma_wait3A_250[%multiple_of3A, %dma_wait3A_251] : memref<10000x128xf32, #tpu.memory_space<hbm>> -> memref<80x128xf32, #tpu.memory_space<hbm>>
      %dma_wait3A_253 = arith.constant 0 : i32
      %dma_wait3A_254 = tpu.memref_slice %arg9[%multiple_of3A, %dma_wait3A_253] : memref<10000x128xf32, #tpu.memory_space<vmem_shared>> -> memref<80x128xf32, #tpu.memory_space<vmem_shared>>
      tpu.wait_dma2 semaphore(%arg13 : memref<!tpu.dma_semaphore, #tpu.memory_space<semaphore_mem>>) src(%dma_wait3A_254 : memref<80x128xf32, #tpu.memory_space<vmem_shared>>) dst(%dma_wait3A_252 : memref<80x128xf32, #tpu.memory_space<hbm>>)
    } else {
    }
    %add3A_225 = arith.constant 80 : i32
    %add3A_226 = arith.addi %arg1, %add3A_225 : i32
    %lt3A_227 = arith.constant 125 : i32
    %lt3A_228 = arith.cmpi slt, %add3A_226, %lt3A_227 : i32
    %convert_element_type3A_229 = arith.extui %lt3A_228 : i1 to i32
    %cond3A_230 = arith.constant 0 : i32
    %cond3A_231 = arith.cmpi ne, %convert_element_type3A_229, %cond3A_230 : i32
    scf.if %cond3A_231 {
      %mul3A_246 = arith.constant 80 : i32
      %mul3A_247 = arith.muli %add3A_226, %mul3A_246 : i32
      %multiple_of3A = tpu.assume_multiple %mul3A_247, 80 : i32
      %dma_wait3A = arith.constant 0 : i32
      %dma_wait3A_248 = arith.constant 0 : i32
      %dma_wait3A_249 = tpu.memref_slice %arg4[%arg0, %dma_wait3A, %dma_wait3A_248] : memref<2x10000x128xf32, #tpu.memory_space<hbm>> -> memref<1x10000x128xf32, #tpu.memory_space<hbm>>
      %dma_wait3A_250 = tpu.memref_squeeze %dma_wait3A_249 : memref<1x10000x128xf32, #tpu.memory_space<hbm>> -> memref<10000x128xf32, #tpu.memory_space<hbm>>
      %dma_wait3A_251 = arith.constant 0 : i32
      %dma_wait3A_252 = tpu.memref_slice %dma_wait3A_250[%multiple_of3A, %dma_wait3A_251] : memref<10000x128xf32, #tpu.memory_space<hbm>> -> memref<80x128xf32, #tpu.memory_space<hbm>>
      %dma_wait3A_253 = arith.constant 0 : i32
      %dma_wait3A_254 = tpu.memref_slice %arg9[%multiple_of3A, %dma_wait3A_253] : memref<10000x128xf32, #tpu.memory_space<vmem_shared>> -> memref<80x128xf32, #tpu.memory_space<vmem_shared>>
      tpu.wait_dma2 semaphore(%arg13 : memref<!tpu.dma_semaphore, #tpu.memory_space<semaphore_mem>>) src(%dma_wait3A_254 : memref<80x128xf32, #tpu.memory_space<vmem_shared>>) dst(%dma_wait3A_252 : memref<80x128xf32, #tpu.memory_space<hbm>>)
    } else {
    }
    %add3A_232 = arith.constant 96 : i32
    %add3A_233 = arith.addi %arg1, %add3A_232 : i32
    %lt3A_234 = arith.constant 125 : i32
    %lt3A_235 = arith.cmpi slt, %add3A_233, %lt3A_234 : i32
    %convert_element_type3A_236 = arith.extui %lt3A_235 : i1 to i32
    %cond3A_237 = arith.constant 0 : i32
    %cond3A_238 = arith.cmpi ne, %convert_element_type3A_236, %cond3A_237 : i32
    scf.if %cond3A_238 {
      %mul3A_246 = arith.constant 80 : i32
      %mul3A_247 = arith.muli %add3A_233, %mul3A_246 : i32
      %multiple_of3A = tpu.assume_multiple %mul3A_247, 80 : i32
      %dma_wait3A = arith.constant 0 : i32
      %dma_wait3A_248 = arith.constant 0 : i32
      %dma_wait3A_249 = tpu.memref_slice %arg4[%arg0, %dma_wait3A, %dma_wait3A_248] : memref<2x10000x128xf32, #tpu.memory_space<hbm>> -> memref<1x10000x128xf32, #tpu.memory_space<hbm>>
      %dma_wait3A_250 = tpu.memref_squeeze %dma_wait3A_249 : memref<1x10000x128xf32, #tpu.memory_space<hbm>> -> memref<10000x128xf32, #tpu.memory_space<hbm>>
      %dma_wait3A_251 = arith.constant 0 : i32
      %dma_wait3A_252 = tpu.memref_slice %dma_wait3A_250[%multiple_of3A, %dma_wait3A_251] : memref<10000x128xf32, #tpu.memory_space<hbm>> -> memref<80x128xf32, #tpu.memory_space<hbm>>
      %dma_wait3A_253 = arith.constant 0 : i32
      %dma_wait3A_254 = tpu.memref_slice %arg9[%multiple_of3A, %dma_wait3A_253] : memref<10000x128xf32, #tpu.memory_space<vmem_shared>> -> memref<80x128xf32, #tpu.memory_space<vmem_shared>>
      tpu.wait_dma2 semaphore(%arg13 : memref<!tpu.dma_semaphore, #tpu.memory_space<semaphore_mem>>) src(%dma_wait3A_254 : memref<80x128xf32, #tpu.memory_space<vmem_shared>>) dst(%dma_wait3A_252 : memref<80x128xf32, #tpu.memory_space<hbm>>)
    } else {
    }
    %add3A_239 = arith.constant 112 : i32
    %add3A_240 = arith.addi %arg1, %add3A_239 : i32
    %lt3A_241 = arith.constant 125 : i32
    %lt3A_242 = arith.cmpi slt, %add3A_240, %lt3A_241 : i32
    %convert_element_type3A_243 = arith.extui %lt3A_242 : i1 to i32
    %cond3A_244 = arith.constant 0 : i32
    %cond3A_245 = arith.cmpi ne, %convert_element_type3A_243, %cond3A_244 : i32
    scf.if %cond3A_245 {
      %mul3A_246 = arith.constant 80 : i32
      %mul3A_247 = arith.muli %add3A_240, %mul3A_246 : i32
      %multiple_of3A = tpu.assume_multiple %mul3A_247, 80 : i32
      %dma_wait3A = arith.constant 0 : i32
      %dma_wait3A_248 = arith.constant 0 : i32
      %dma_wait3A_249 = tpu.memref_slice %arg4[%arg0, %dma_wait3A, %dma_wait3A_248] : memref<2x10000x128xf32, #tpu.memory_space<hbm>> -> memref<1x10000x128xf32, #tpu.memory_space<hbm>>
      %dma_wait3A_250 = tpu.memref_squeeze %dma_wait3A_249 : memref<1x10000x128xf32, #tpu.memory_space<hbm>> -> memref<10000x128xf32, #tpu.memory_space<hbm>>
      %dma_wait3A_251 = arith.constant 0 : i32
      %dma_wait3A_252 = tpu.memref_slice %dma_wait3A_250[%multiple_of3A, %dma_wait3A_251] : memref<10000x128xf32, #tpu.memory_space<hbm>> -> memref<80x128xf32, #tpu.memory_space<hbm>>
      %dma_wait3A_253 = arith.constant 0 : i32
      %dma_wait3A_254 = tpu.memref_slice %arg9[%multiple_of3A, %dma_wait3A_253] : memref<10000x128xf32, #tpu.memory_space<vmem_shared>> -> memref<80x128xf32, #tpu.memory_space<vmem_shared>>
      tpu.wait_dma2 semaphore(%arg13 : memref<!tpu.dma_semaphore, #tpu.memory_space<semaphore_mem>>) src(%dma_wait3A_254 : memref<80x128xf32, #tpu.memory_space<vmem_shared>>) dst(%dma_wait3A_252 : memref<80x128xf32, #tpu.memory_space<hbm>>)
    } else {
    }
    return
  }
}

</mosaic_0001>

<sc_bundles>
// kernel: _sc_scatter.3.cloned.1.call-start
scs
__scs_entry_jumppad:
0x0: {  	(pc) =	sbr.rel $0x88, $3  }
0x1: {  	(tag) =	ssettag $0x0;
	lr =	simm.s32 $0x1  }
0x2: {  	[smem:$0x3F9F] =	sst lr;
	_ =	strace $0xD0000000  }
0x3: {  	_ = 	snop  }
0x4: {  	_ = 	snop  }
0x5: {  	_ = 	snop  }
0x6: {  	_ = 	snop  }
0x7: {  	_ = 	snop  }
__scs_overlays_trampoline_lowered:
0x8: {  	[smem:$0x3FAE] =	sst s0  }
0x9: {  	[smem:$0x3FAF] =	sst s1  }
0xa: {  	[smem:$0x3FB0] =	sst s2  }
0xb: {  	[smem:$0x3FB1] =	sst s3  }
0xc: {  	[smem:$0x3FB2] =	sst s4  }
0xd: {  	[smem:$0x3FB3] =	sst s5  }
0xe: {  	[smem:$0x3FB4] =	sst s6  }
0xf: {  	[smem:$0x3FB5] =	sst s7  }
0x10: {  	[smem:$0x3FB6] =	sst s8  }
0x11: {  	[smem:$0x3FB7] =	sst s9;
	s0 =	simm.s32 @!p0 $0x0  }
0x12: {  	s1 =	sld [smem:$0x3F9D];
	s0 =	simm.s32 @p0 $0x1  }
0x13: {  	[smem:$0x3FB8] =	sst s0;
	s0 =	simm.s32 @!p1 $0x0  }
0x14: {  	s2 =	sld [smem:$0x3F9C];
	s0 =	simm.s32 @p1 $0x1  }
0x15: {  	[smem:$0x3FB9] =	sst s0;
	s0 =	simm.s32 @!p2 $0x0  }
0x16: {  	s3 =	sld [smem:$0x3FDB];
	s0 =	simm.s32 @p2 $0x1  }
0x17: {  	s4 =	simm.s32 $0x1BF5;
	[smem:$0x3FBB] =	sst s0  }
0x18: {  	s0 =	sld [smem:$0x3F9E];
	_ =	swait.ge [sflag:s4], $0x0  }
0x19: {  	s7 =	sld [smem:$0x3F9F]  }
0x1a: {  	s8 =	sadd.s32 $0xFFFFE003, lr  }
0x1b: {  	s9 =	sadd.s32 $0xFFFFFEF7, lr;
	s5 =	simm.s32 $0xFFFFFFFF;
	p2 =	slt.u32 s8, $0xFFFFF086  }
0x1c: {  	p1 =	slt.u32 s9, $0xF7A;
	s5 =	simm.s32 @!p2 $0x0  }
0x1d: {  	s5 =	simm.s32 @p1 $0x1;
	p0 =	seq.s32 s7, s2  }
0x1e: {  	s7 =	smul.u32 @!p0 $0xF7A, s2;
	p2 =	seq.s32 @!p0 s5, $0x0  }
0x1f: {  	s9 =	smul.u32 $0xF7A, s1;
	s8 =	simm.s32 @!p0 $0x1BF5;
	p2 =	por !p2, p0  }
0x20: {  	[sflag:s8] =	ssyncset.s32 @!p0 $0xFFFFF086;
	s6 =	sadd.s32 @!p0 s3, s7;
	s7 =	simm.s32 @!p0 $0x108  }
0x21: {  	s3 =	sadd.s32 s3, s9;
	s6 =	sadd.s32 @!p0 $0x88, s6;
	s7 =	simm.s32 @p2 $0x1082  }
0x22: {  	[simem:s7], [sflag:s8] =	dma.local @!p0 [hbm:s6], $0xF7A  }
0x23: {  	s9 =	sor.u32 $0xD0000000, s2;
	s6 =	simm.s32 $0x108;
	_ =	swait.ge @!p0 [sflag:s8], $0x0  }
0x24: {  	s3 =	sadd.s32 $0x88, s3;
	s6 =	simm.s32 @!p1 $0x1082;
	[sflag:s4] =	ssyncset.s32 $0xFFFFF086  }
0x25: {  	[simem:s6], [sflag:s4] =	dma.local [hbm:s3], $0xF7A  }
0x26: {  	[smem:$0x3F9F] =	sst s1;
	(tag) =	ssettag s2;
	_ =	strace s9  }
0x27: {  	s1 =	sld [smem:$0x3FAF]  }
0x28: {  	s2 =	sld [smem:$0x3FB0]  }
0x29: {  	s4 =	sld [smem:$0x3FB2]  }
0x2a: {  	p0 =	seq.s32 s5, $0x0;
	s5 =	sld [smem:$0x3FB3]  }
0x2b: {  	s6 =	sld [smem:$0x3FB4]  }
0x2c: {  	s7 =	sld [smem:$0x3FB5]  }
0x2d: {  	s3 =	simm.s32 $0x108;
	s8 =	sld [smem:$0x3FB6]  }
0x2e: {  	s3 =	simm.s32 @!p0 $0x1082;
	s9 =	sld [smem:$0x3FB7]  }
0x2f: {  	lr =	sadd.s32 s0, s3;
	s0 =	sld [smem:$0x3FAE]  }
0x30: {  	s3 =	sld [smem:$0x3FB1]  }
0x31: {  	[smem:$0x3FBA] =	sst s10  }
0x32: {  	s10 =	sld [smem:$0x3FB8];
	_ =	sdelay $0x3  }
0x33: {  	p0 =	seq.s32 s10, $0x1;
	s10 =	sld [smem:$0x3FBA];
	_ =	sdelay $0x3  }
0x34: {  	[smem:$0x3FBA] =	sst s10  }
0x35: {  	s10 =	sld [smem:$0x3FB9];
	_ =	sdelay $0x3  }
0x36: {  	p1 =	seq.s32 s10, $0x1;
	s10 =	sld [smem:$0x3FBA];
	_ =	sdelay $0x3  }
0x37: {  	[smem:$0x3FBA] =	sst s10  }
0x38: {  	s10 =	sld [smem:$0x3FBB]  }
0x39: {  	_ = 	snop;
	(pc) =	sbr.ind lr, $3  }
0x3a: {  	_ = 	snop  }
0x3b: {  	_ = 	snop  }
0x3c: {  	p2 =	seq.s32 s10, $0x1;
	s10 =	sld [smem:$0x3FBA]  }
0x3d: {  	_ =	shalt  }
0x3e: {  	_ =	shalt  }
0x3f: {  	_ =	shalt  }
0x40: {  	_ =	shalt  }
0x41: {  	_ =	shalt  }
0x42: {  	_ =	shalt  }
0x43: {  	_ =	shalt  }
0x44: {  	_ =	shalt  }
0x45: {  	_ =	shalt  }
0x46: {  	_ =	shalt  }
0x47: {  	_ =	shalt  }
0x48: {  	_ =	shalt  }
0x49: {  	_ =	shalt  }
0x4a: {  	_ =	shalt  }
0x4b: {  	_ =	shalt  }
0x4c: {  	_ =	shalt  }
0x4d: {  	_ =	shalt  }
0x4e: {  	_ =	shalt  }
0x4f: {  	_ =	shalt  }
0x50: {  	_ =	shalt  }
0x51: {  	_ =	shalt  }
0x52: {  	_ =	shalt  }
0x53: {  	_ =	shalt  }
0x54: {  	_ =	shalt  }
0x55: {  	_ =	shalt  }
0x56: {  	_ =	shalt  }
0x57: {  	_ =	shalt  }
0x58: {  	_ =	shalt  }
0x59: {  	_ =	shalt  }
0x5a: {  	_ =	shalt  }
0x5b: {  	_ =	shalt  }
0x5c: {  	_ =	shalt  }
0x5d: {  	_ =	shalt  }
0x5e: {  	_ =	shalt  }
0x5f: {  	_ =	shalt  }
0x60: {  	_ =	shalt  }
0x61: {  	_ =	shalt  }
0x62: {  	_ =	shalt  }
0x63: {  	_ =	shalt  }
0x64: {  	_ =	shalt  }
0x65: {  	_ =	shalt  }
0x66: {  	_ =	shalt  }
0x67: {  	_ =	shalt  }
0x68: {  	_ =	shalt  }
0x69: {  	_ =	shalt  }
0x6a: {  	_ =	shalt  }
0x6b: {  	_ =	shalt  }
0x6c: {  	_ =	shalt  }
0x6d: {  	_ =	shalt  }
0x6e: {  	_ =	shalt  }
0x6f: {  	_ =	shalt  }
0x70: {  	_ =	shalt  }
0x71: {  	_ =	shalt  }
0x72: {  	_ =	shalt  }
0x73: {  	_ =	shalt  }
0x74: {  	_ =	shalt  }
0x75: {  	_ =	shalt  }
0x76: {  	_ =	shalt  }
0x77: {  	_ =	shalt  }
0x78: {  	_ =	shalt  }
0x79: {  	_ =	shalt  }
0x7a: {  	_ =	shalt  }
0x7b: {  	_ =	shalt  }
0x7c: {  	_ =	shalt  }
0x7d: {  	_ =	shalt  }
0x7e: {  	_ =	shalt  }
0x7f: {  	_ =	shalt  }
0x80: {  	_ =	shalt  }
0x81: {  	_ =	shalt  }
0x82: {  	_ =	shalt  }
0x83: {  	_ =	shalt  }
0x84: {  	_ =	shalt  }
0x85: {  	_ =	shalt  }
0x86: {  	_ =	shalt  }
0x87: {  	_ =	shalt  }
.Lfunc_end0:
.L_simem_size_0:
called_computation_lowered:
.L_overlay_start_0:
0x88: {  	s2 =	sld [smem:$0x3FD9]  }
0x89: {  	s3 =	sld [smem:$0x3FFE];
	_ =	sdelay $0x1  }
0x8a: {  	s1 =	srdreg.scid  }
0x8b: {  	s0 =	sand.u32 $0x1, s1  }
0x8c: {  	s17 =	sshll.u32 s0, $0xA;
	s2 =	sadd.s32 s3, s2  }
0x8d: {  	s2 =	sadd.s32 s2, s17  }
0x8e: {  	[smem:$0x3FC6] =	sst s2  }
0x8f: {  	_ = 	snop  }
0x90: {  	s2 =	sld [smem:$0x3FC9]  }
0x91: {  	s18 =	sld [smem:$0x3FD0];
	(tm) =	ssettm $0x1  }
0x92: {  	s4 =	sld [smem:$0x3FFB];
	_ =	sdelay $0x3  }
0x93: {  	_ =	strace s4  }
0x94: {  	s4 =	sld [smem:$0x3FFC];
	_ =	sdelay $0x3  }
0x95: {  	_ =	strace s4  }
0x96: {  	s4 =	sld [smem:$0x3FFD];
	_ =	sdelay $0x3  }
0x97: {  	_ =	strace s4  }
0x98: {  	_ =	strace $0x8FFFFFFF  }
0x99: {  	s19 =	sld [smem:$0x3FDB];
	_ =	sdelay $0x1  }
0x9a: {  	s5 =	simm.s32 $_scs_section_size  }
0x9b: {  	s6 =	simm.s32 $_size__tile_overlayer_lowered;
	s7 =	simm.s32 $_tile_overlayer_lowered  }
0x9c: {  	s22 =	simm.s32 $0x1BFF;
	s21 =	sshll.u32 s7, $0x1;
	s4 =	sadd.s32 s5, s19  }
0x9d: {  	s8 =	simm.s32 $0x0;
	s20 =	sshll.u32 s6, $0x1;
	s6 =	sadd.s32 s21, s4  }
0x9e: {  	[timem:s8], [sflag:s22] =	dma.local [hbm:s6], s20  }
0x9f: {  	_ =	swait.ge [sflag:s22], s20  }
0xa0: {  	s5 =	ssub.s32 $0x0, s20;
	[sflag:s22] =	ssyncset.done $0x0  }
0xa1: {  	[sflag:s22] =	ssyncadd.s32 s5;
	_ =	sdelay $0x1  }
0xa2: {  	s23 =	simm.s32 $0x1B8B  }
0xa3: {  	_ =	swait.ge [sflag:s23], $0x1  }
0xa4: {  	[sflag:s23] =	ssyncset.done $0x0  }
0xa5: {  	s25 =	simm.s32 $0x1B8E;
	s24 =	sld [smem:$0x3FFE];
	[sflag:s23] =	ssyncadd.s32 $0xFFFFFFFF  }
0xa6: {  	s26 =	simm.s32 $execute0_lowered;
	[smem:$0x3FD2] =	sst s25  }
0xa7: {  	s6 =	sshll.u32 s26, $0x1;
	_ =	strace $0x80000046;
	[dreg:$0x1] =	wrdreg $0xFFFFFFFF  }
0xa8: {  	s28 =	simm.s32 $_size_execute0_lowered;
	s4 =	sadd.s32 s4, s6;
	[dreg:$0x0] =	wrdreg $0x0  }
0xa9: {  	s6 =	sshll.u32 s28, $0x1;
	[dreg:$0x2] =	wrdreg s4  }
0xaa: {  	[dreg:$0x3] =	wrdreg s6  }
0xab: {  	[dreg:$0x4] =	wrdreg $0xC0  }
0xac: {  	_ =	task [dreg:s8], $0x5FFFF  }
0xad: {  	[dreg:$0x1] =	wrdreg $0xFFFFFFFF  }
0xae: {  	[dreg:$0x0] =	wrdreg $0x60  }
0xaf: {  	[dreg:$0x2] =	wrdreg s2  }
0xb0: {  	[dreg:$0x3] =	wrdreg s24  }
0xb1: {  	[dreg:$0x4] =	wrdreg s18  }
0xb2: {  	[dreg:$0x5] =	wrdreg $0xB8000  }
0xb3: {  	[dreg:$0x6] =	wrdreg $0x9  }
0xb4: {  	_ =	task.clear_ibuf [dreg:s8], $0x7FFFF;
	_ =	strace $0x90000046  }
0xb5: {  	s29 =	simm.s32 $0x9;
	_ =	strace $0x80000048  }
0xb6: {  	_ =	swait.ge [sflag:s29], $0x1  }
0xb7: {  	[sflag:s29] =	ssyncadd.s32 $0xFFFFFFFF  }
0xb8: {  	_ =	strace $0x90000048  }
0xb9: {  	_ =	sfence  }
0xba: {  	s30 =	sld [smem:$0x0];
	_ =	sdelay $0x2  }
0xbb: {  	s31 =	sshll.u32 s1, $0xD;
	s1 =	sshrl.u32 s1, $0x2  }
0xbc: {  	s3 =	sand.u32 $0x4000, s31;
	s1 =	sadd.s32 s1, s30  }
0xbd: {  	s0 =	sor.u32 s3, s0;
	s1 =	sshll.u32 s1, $0x11  }
0xbe: {  	s0 =	sor.u32 s1, s0  }
0xbf: {  	s0 =	sadd.s32 $0x8F2B, s0  }
0xc0: {  	[sflag:s0] =	ssyncadd.remote.s32 $0x1  }
0xc1: {  	_ =	sfence.sel $0xFFFF  }
0xc2: {  	[dreg:$0x0] =	wrdreg $0xFFFFFFFF;
	(pc) =	sbr.abs _section_cstart, $3  }
0xc3: {  	[dreg:$0x1] =	wrdreg $0xFFFFFFFF  }
0xc4: {  	_ =	task.clear_ibuf [dreg:s8], $0x2FFFF;
	_ =	strace $0x9FFFFFFF  }
0xc5: {  	(tm) =	ssettm $0x7FFFFFFF  }
tec
execute0_lowered:
.L_overlay_start_1:
0x0: {  	(tag) =	ssettag $0x1  }
0x1: {  	s0 =	srdreg.scid;
	s1 =	rddreg [dreg:$0x0]  }
0x2: {  	s3 =	rddreg [dreg:$0x1];
	s26 =	stileid.u32  }
0x3: {  	s4 =	rddreg [dreg:$0x2];
	s8 =	simm.s32 $0x0;
	s25 =	smul.u32 $0xA000, s26  }
0x4: {  	s28 =	simm.s32 $0x9000;
	s9 =	sor.u32 $0x10, s26;
	s24 =	smul.u32 $0x27100, s26  }
0x5: {  	s29 =	simm.s32 $0x4;
	s11 =	sor.u32 $0x20, s26;
	s10 =	smul.u32 $0xA000, s9  }
0x6: {  	s30 =	simm.s32 $0x5;
	s14 =	sor.u32 $0x40, s26;
	s12 =	smul.u32 $0xA000, s11  }
0x7: {  	s31 =	simm.s32 $0x3;
	s17 =	sor.u32 $0x50, s26;
	s16 =	smul.u32 $0xA000, s14  }
0x8: {  	s0 =	sand.u32 $0x1, s0;
	[smem:$0x7FF] =	sst s8;
	s19 =	smul.u32 $0xA000, s17  }
0x9: {  	s13 =	sor.u32 $0x30, s26;
	s20 =	sor.u32 $0x60, s26;
	s22 =	smul.u32 $0x27100, s0  }
0xa: {  	s2 =	sshll.u32 s0, $0x4;
	s15 =	ssub.s32 $0x2, s0;
	s0 =	smul.u32 $0x271000, s0  }
0xb: {  	p0 =	sgt.u32 s26, $0xC;
	s17 =	smul.u32 $0x500, s17;
	s5 =	sor.u32 s26, s2  }
0xc: {  	s2 =	rddreg [dreg:$0x3];
	_ =	strace $0x80000047;
	s6 =	smul.u32 $0x27100, s5  }
0xd: {  	s18 =	sshrl.u32 s15, $0x1;
	s23 =	sshrl.u32 s25, $0x2;
	s7 =	smul.u32 $0x138800, s5  }
0xe: {  	s5 =	sshll.u32 s5, $0xB;
	s15 =	ssub.s32 s15, s18;
	s18 =	smul.u32 $0xA000, s20  }
0xf: {  	s4 =	sadd.s32 s4, s22;
	s0 =	sadd.s32 s0, s1;
	s25 =	sshrl.u32 s10, $0x2  }
0x10: {  	s22 =	smul.u32 $0x500, s26;
	s10 =	sshrl.u32 s12, $0x2;
	s12 =	sshrl.u32 s19, $0x2  }
0x11: {  	s3 =	sadd.s32 s5, s3;
	s5 =	smul.u32 $0xA000, s13;
	s0 =	sadd.s32 s24, s0  }
0x12: {  	s8 =	sadd.s32 s10, s2;
	s24 =	smul.u32 $0x500, s11;
	s11 =	sshrl.u32 s16, $0x2  }
0x13: {  	s16 =	smul.u32 $0x500, s13;
	s7 =	sshrl.u32 s7, $0x3;
	s6 =	sadd.s32 s1, s6  }
0x14: {  	s10 =	sadd.s32 s11, s2;
	s11 =	sadd.s32 s12, s2;
	s13 =	sshrl.u32 s18, $0x2  }
0x15: {  	s0 =	sadd.s32 $0xA00, s0;
	[dreg:$0x5] =	wrdreg s6;
	s21 =	sadd.s32 s1, s7  }
0x16: {  	s7 =	sadd.s32 s25, s2;
	s5 =	sshrl.u32 s5, $0x2;
	s25 =	smul.u32 $0x500, s14  }
0x17: {  	s12 =	sadd.s32 s13, s2;
	s14 =	smul.u32 $0x500, s20;
	s20 =	sadd.s32 $0x400, s3  }
0x18: {  	[dreg:$0x9] =	wrdreg s0;
	s19 =	sadd.s32 s24, s4;
	s0 =	simm.s32 $0x2  }
0x19: {  	s3 =	simm.s32 $0x1;
	s6 =	sadd.s32 $0x500, s21;
	s21 =	sor.u32 $0x70, s26  }
0x1a: {  	[dreg:$0x7] =	wrdreg s20;
	s26 =	sadd.s32 s22, s4;
	s20 =	sadd.s32 s16, s4  }
0x1b: {  	s22 =	sadd.s32 s17, s4;
	[dreg:$0x6] =	wrdreg s6;
	s1 =	smul.u32 $0xA000, s21  }
0x1c: {  	s6 =	sadd.s32 s23, s2;
	s23 =	smul.u32 $0x500, s9;
	s9 =	sadd.s32 s5, s2  }
.Ltmp0:
0x1d: {  	[dreg:$0xa] =	wrdreg s26;
	s26 =	simm.s32 $0x6800;
	(pc) =	sbr.rel .LBB2_1-.Ltmp0, $4  }
0x1e: {  	s1 =	sshrl.u32 s1, $0x2;
	s18 =	sadd.s32 s23, s4;
	s23 =	sadd.s32 s14, s4  }
0x1f: {  	s13 =	sadd.s32 s1, s2;
	s1 =	smul.u32 $0x500, s21;
	s21 =	smax.u32 s15, $0x1  }
0x20: {  	[dreg:$0x8] =	wrdreg s21;
	s21 =	sadd.s32 s25, s4;
	s25 =	simm.s32 $0x4000  }
0x21: {  	v0 =	vimm.f32 $0.0e+00;
	s24 =	sadd.s32 @!p0 s1, s4;
	s1 =	simm.s32 $0x50;
	s4 =	simm.s32 $0x0  }
.LBB2_10:
0x22: {  	s5 =	stileid.u32  }
0x23: {  	[bflag:$0x0] =	sbarrier.arrive $0xFFFF;
	s14 =	sshrl.u32 s6, $0x3;
	s5 =	sshll.u32 s5, $0x6  }
0x24: {  	s17 =	sshrl.u32 s7, $0x3;
	s15 =	rddreg [dreg:$0xa];
	s5 =	sor.u32 $0x1C04, s5  }
0x25: {  	[hbm:s15], [sflag:s5] =	dma.local [spmem:s14], $0x500  }
0x26: {  	s16 =	sshrl.u32 s9, $0x3;
	s15 =	sshrl.u32 s8, $0x3;
	s14 =	sshrl.u32 @!p0 s13, $0x3  }
0x27: {  	[hbm:s18], [sflag:s5] =	dma.local [spmem:s17], $0x500  }
0x28: {  	[hbm:s19], [sflag:s5] =	dma.local [spmem:s15], $0x500  }
0x29: {  	[hbm:s20], [sflag:s5] =	dma.local [spmem:s16], $0x500  }
0x2a: {  	s17 =	sshrl.u32 s10, $0x3;
	s15 =	sshrl.u32 s11, $0x3;
	s16 =	sshrl.u32 s12, $0x3  }
0x2b: {  	[hbm:s21], [sflag:s5] =	dma.local [spmem:s17], $0x500  }
0x2c: {  	[hbm:s22], [sflag:s5] =	dma.local [spmem:s15], $0x500  }
0x2d: {  	[hbm:s23], [sflag:s5] =	dma.local [spmem:s16], $0x500  }
0x2e: {  	[hbm:s24], [sflag:s5] =	dma.local @!p0 [spmem:s14], $0x500  }
0x2f: {  	_ =	swait.ge [sflag:s29], $0x500  }
0x30: {  	[sflag:s29] =	ssyncset.done $0x0  }
0x31: {  	[sflag:s29] =	ssyncadd.s32 $0xFFFFFB00  }
0x32: {  	_ =	swait.ge [sflag:s29], $0x500  }
0x33: {  	[sflag:s29] =	ssyncset.done $0x0  }
0x34: {  	[sflag:s29] =	ssyncadd.s32 $0xFFFFFB00  }
0x35: {  	_ =	swait.ge [sflag:s29], $0x500  }
0x36: {  	[sflag:s29] =	ssyncset.done $0x0  }
0x37: {  	[sflag:s29] =	ssyncadd.s32 $0xFFFFFB00  }
0x38: {  	_ =	swait.ge [sflag:s29], $0x500  }
0x39: {  	[sflag:s29] =	ssyncset.done $0x0  }
0x3a: {  	[sflag:s29] =	ssyncadd.s32 $0xFFFFFB00  }
0x3b: {  	_ =	swait.ge [sflag:s29], $0x500  }
0x3c: {  	[sflag:s29] =	ssyncset.done $0x0  }
0x3d: {  	[sflag:s29] =	ssyncadd.s32 $0xFFFFFB00  }
0x3e: {  	_ =	swait.ge [sflag:s29], $0x500  }
0x3f: {  	[sflag:s29] =	ssyncset.done $0x0  }
0x40: {  	[sflag:s29] =	ssyncadd.s32 $0xFFFFFB00  }
0x41: {  	_ =	swait.ge [sflag:s29], $0x500  }
0x42: {  	[sflag:s29] =	ssyncset.done $0x0  }
0x43: {  	s5 =	simm.s32 @!p0 $0x4;
	[sflag:s29] =	ssyncadd.s32 $0xFFFFFB00  }
0x44: {  	_ =	swait.ge @!p0 [sflag:s5], $0x500  }
0x45: {  	s4 =	sadd.s32 $0x1, s4;
	s17 =	rddreg [dreg:$0x8]  }
0x46: {  	p1 =	sne.s32 s4, s17  }
.Ltmp1:
0x47: {  	_ = 	snop;
	(pc) =	sbr.rel @!p1 .LBB2_11-.Ltmp1, $3  }
0x48: {  	_ =	sdelay $0x1  }
0x49: {  	[sflag:s5] =	ssyncset.done @!p0 $0x0  }
0x4a: {  	[sflag:s5] =	ssyncadd.s32 @!p0 $0xFFFFFB00  }
.LBB2_1:
0x4b: {  	s5 =	simm.s32 $0x0;
	s14 =	rddreg [dreg:$0x5]  }
0x4c: {  	[tilespmem:s25], [sflag:$0x1] =	stream.linear.gather [hbm4b:s14+s5], $0x2800, $0x38;
	[tilespmem:$0x1F080] =	vst v63  }
0x4d: {  	s17 =	rddreg [dreg:$0x6]  }
0x4e: {  	[tilespmem:s26], [sflag:$0x2] =	stream.linear.gather [hbm4b:s17+s5], $0x2800, $0x38;
	[tilespmem:$0x1F080] =	vst v63  }
0x4f: {  	s15 =	simm.s32 $0x200;
	s5 =	simm.s32 $0x0  }
.LBB2_2:
0x50: {  	p1 =	sne.s32 s15, $0x9E00;
	[tilespmem:s5+$0x9070] =	vst v0  }
0x51: {  	[tilespmem:s5+$0x9000] =	vst v0  }
0x52: {  	[tilespmem:s5+$0x9010] =	vst v0  }
.Ltmp2:
0x53: {  	[tilespmem:s5+$0x9020] =	vst v0;
	(pc) =	sbr.rel @p1 .LBB2_2-.Ltmp2, $4  }
0x54: {  	[tilespmem:s5+$0x9030] =	vst v0  }
0x55: {  	[tilespmem:s5+$0x9040] =	vst v0  }
0x56: {  	[tilespmem:s5+$0x9050] =	vst v0  }
0x57: {  	[tilespmem:s5+$0x9060] =	vst v0;
	s5 =	sshra.s32 s15, $0x2;
	s15 =	sadd.s32 $0x200, s15  }
0x58: {  	[tilespmem:s5+$0x9070] =	vst v0  }
0x59: {  	[tilespmem:s5+$0x9000] =	vst v0  }
0x5a: {  	[tilespmem:s5+$0x9010] =	vst v0  }
0x5b: {  	[tilespmem:s5+$0x9020] =	vst v0  }
0x5c: {  	[tilespmem:s5+$0x9030] =	vst v0  }
0x5d: {  	[tilespmem:s5+$0x9040] =	vst v0  }
0x5e: {  	[tilespmem:s5+$0x9050] =	vst v0  }
0x5f: {  	[tilespmem:s5+$0x9060] =	vst v0  }
0x60: {  	[spmem:s6] =	stream.linear.scatter [tilespmem:s28], [sflag:$0x4], $0x2800, $0x38;
	[tilespmem:$0x1F080] =	vst v63  }
0x61: {  	_ = 	snop  }
0x62: {  	[spmem:s7] =	stream.linear.scatter [tilespmem:s28], [sflag:$0x4], $0x2800, $0x38;
	[tilespmem:$0x1F080] =	vst v63  }
0x63: {  	_ = 	snop  }
0x64: {  	[spmem:s8] =	stream.linear.scatter [tilespmem:s28], [sflag:$0x4], $0x2800, $0x38;
	[tilespmem:$0x1F080] =	vst v63  }
0x65: {  	_ = 	snop  }
0x66: {  	[spmem:s9] =	stream.linear.scatter [tilespmem:s28], [sflag:$0x4], $0x2800, $0x38;
	[tilespmem:$0x1F080] =	vst v63  }
0x67: {  	_ = 	snop  }
0x68: {  	[spmem:s10] =	stream.linear.scatter [tilespmem:s28], [sflag:$0x4], $0x2800, $0x38;
	[tilespmem:$0x1F080] =	vst v63  }
0x69: {  	_ = 	snop  }
0x6a: {  	[spmem:s11] =	stream.linear.scatter [tilespmem:s28], [sflag:$0x4], $0x2800, $0x38;
	[tilespmem:$0x1F080] =	vst v63  }
0x6b: {  	_ = 	snop  }
0x6c: {  	[spmem:s12] =	stream.linear.scatter [tilespmem:s28], [sflag:$0x4], $0x2800, $0x38;
	[tilespmem:$0x1F080] =	vst v63  }
0x6d: {  	s5 =	simm.s32 @!p0 $0x9000  }
0x6e: {  	[spmem:s13] =	stream.linear.scatter @!p0 [tilespmem:s5], [sflag:$0x4], $0x2800, $0x38;
	[tilespmem:$0x1F080] =	vst v63  }
0x6f: {  	_ =	swait.ge [sflag:s29], $0x2800  }
0x70: {  	[sflag:s29] =	ssyncset.done $0x0  }
0x71: {  	[sflag:s29] =	ssyncadd.s32 $0xFFFFD800  }
0x72: {  	_ =	swait.ge [sflag:s29], $0x2800  }
0x73: {  	[sflag:s29] =	ssyncset.done $0x0  }
0x74: {  	[sflag:s29] =	ssyncadd.s32 $0xFFFFD800  }
0x75: {  	_ =	swait.ge [sflag:s29], $0x2800  }
0x76: {  	[sflag:s29] =	ssyncset.done $0x0  }
0x77: {  	[sflag:s29] =	ssyncadd.s32 $0xFFFFD800  }
0x78: {  	_ =	swait.ge [sflag:s29], $0x2800  }
0x79: {  	[sflag:s29] =	ssyncset.done $0x0  }
0x7a: {  	[sflag:s29] =	ssyncadd.s32 $0xFFFFD800  }
0x7b: {  	_ =	swait.ge [sflag:s29], $0x2800  }
0x7c: {  	[sflag:s29] =	ssyncset.done $0x0  }
0x7d: {  	[sflag:s29] =	ssyncadd.s32 $0xFFFFD800  }
0x7e: {  	_ =	swait.ge [sflag:s29], $0x2800  }
0x7f: {  	[sflag:s29] =	ssyncset.done $0x0  }
0x80: {  	[sflag:s29] =	ssyncadd.s32 $0xFFFFD800  }
0x81: {  	_ =	swait.ge [sflag:s29], $0x2800  }
0x82: {  	[sflag:s29] =	ssyncset.done $0x0  }
0x83: {  	s5 =	simm.s32 @!p0 $0x4;
	[sflag:s29] =	ssyncadd.s32 $0xFFFFD800  }
0x84: {  	_ =	swait.ge @!p0 [sflag:s5], $0x2800  }
0x85: {  	[sflag:s5] =	ssyncset.done @!p0 $0x0  }
0x86: {  	s14 =	rddreg [dreg:$0x7];
	[sflag:s5] =	ssyncadd.s32 @!p0 $0xFFFFD800;
	s5 =	simm.s32 $0x0  }
0x87: {  	[tilespmem:s5], [sflag:$0x5] =	stream.linear.gather [hbm4b:s14+s5], $0x3E80, $0x38;
	[tilespmem:$0x1F080] =	vst v63  }
.Ltmp3:
0x88: {  	_ =	swait.ge [sflag:s30], $0x3E80;
	(pc) =	sbr.rel .LBB2_4-.Ltmp3, $4  }
0x89: {  	[sflag:s30] =	ssyncset.done $0x0  }
0x8a: {  	[sflag:s30] =	ssyncadd.s32 $0xFFFFC180  }
0x8b: {  	[bflag:$0x0] =	sbarrier.arrive $0xFFFF  }
0x8c: {  	s15 =	simm.s32 $0x0;
	s16 =	rddreg [dreg:$0x9]  }
.LBB2_8:
0x8d: {  	_ =	swait.ge [sflag:s31], $0x2800  }
0x8e: {  	p1 =	sgt.u32 s15, $0x7A;
	[sflag:s31] =	ssyncset.done $0x0  }
0x8f: {  	s14 =	simm.s32 @!p1 $0x0;
	s17 =	simm.s32 @!p1 $0x6800;
	[sflag:s31] =	ssyncadd.s32 $0xFFFFD800  }
0x90: {  	[tilespmem:s17], [sflag:$0x2] =	stream.linear.gather @!p1 [hbm4b:s16+s14], $0x2800, $0x38;
	[tilespmem:$0x1F080] =	vst v63  }
0x91: {  	s17 =	simm.s32 $0x5  }
0x92: {  	[spmem:s2] =	stream.indirect.scatter.add.f32 [tilespmem:s28], [sflag:$0x5], $0x80, s5, s1, $0xb8;
	[tilespmem:$0x1F080] =	vst v63  }
.LBB2_9:
0x93: {  	s15 =	sadd.s32 $0x1, s15  }
0x94: {  	p1 =	sne.s32 s15, $0x7D  }
.Ltmp4:
0x95: {  	_ = 	snop;
	(pc) =	sbr.rel @!p1 .LBB2_10-.Ltmp4, $4  }
0x96: {  	_ = 	snop  }
0x97: {  	_ =	swait.ge [sflag:s17], $0x2800  }
0x98: {  	[sflag:s17] =	ssyncset.done $0x0  }
0x99: {  	s16 =	sadd.s32 $0x500, s16;
	s5 =	sadd.s32 $0x80, s5;
	[sflag:s17] =	ssyncadd.s32 $0xFFFFD800  }
.LBB2_4:
0x9a: {  	s17 =	smul.u32 $0xAB, s15;
	_ =	sdelay $0x1  }
0x9b: {  	s17 =	sshrl.u32 s17, $0x9  }
0x9c: {  	s17 =	sand.u32 $0x7F, s17  }
0x9d: {  	s17 =	smul.u32 $0x3, s17;
	_ =	sdelay $0x1  }
0x9e: {  	s17 =	ssub.s32 s15, s17  }
0x9f: {  	s17 =	sand.u32 $0xFF, s17  }
0xa0: {  	p1 =	seq.s32 s17, $0x2  }
.Ltmp5:
0xa1: {  	_ = 	snop;
	(pc) =	sbr.rel @p1 .LBB2_8-.Ltmp5, $1  }
0xa2: {  	_ =	sdelay $0x3  }
0xa3: {  	p1 =	seq.s32 s17, $0x1  }
.Ltmp6:
0xa4: {  	_ = 	snop;
	(pc) =	sbr.rel @!p1 .LBB2_6-.Ltmp6, $1  }
0xa5: {  	_ =	sdelay $0x3  }
0xa6: {  	_ =	swait.ge [sflag:s0], $0x2800  }
.Ltmp7:
0xa7: {  	p1 =	sgt.u32 s15, $0x7A;
	[sflag:s0] =	ssyncset.done $0x0;
	(pc) =	sbr.rel .LBB2_9-.Ltmp7, $4  }
0xa8: {  	s14 =	simm.s32 @!p1 $0x0;
	s17 =	simm.s32 @!p1 $0x4000;
	[sflag:s0] =	ssyncadd.s32 $0xFFFFD800  }
0xa9: {  	[tilespmem:s17], [sflag:$0x1] =	stream.linear.gather @!p1 [hbm4b:s16+s14], $0x2800, $0x38;
	[tilespmem:$0x1F080] =	vst v63  }
0xaa: {  	s17 =	simm.s32 $0x6  }
0xab: {  	[spmem:s2] =	stream.indirect.scatter.add.f32 [tilespmem:s26], [sflag:$0x6], $0x80, s5, s1, $0xb8;
	[tilespmem:$0x1F080] =	vst v63  }
.LBB2_6:
0xac: {  	_ =	swait.ge [sflag:s3], $0x2800  }
.Ltmp8:
0xad: {  	p1 =	sgt.u32 s15, $0x7A;
	[sflag:s3] =	ssyncset.done $0x0;
	(pc) =	sbr.rel .LBB2_9-.Ltmp8, $4  }
0xae: {  	s17 =	simm.s32 @!p1 $0x0;
	s14 =	simm.s32 @!p1 $0x9000;
	[sflag:s3] =	ssyncadd.s32 $0xFFFFD800  }
0xaf: {  	[tilespmem:s14], [sflag:$0x3] =	stream.linear.gather @!p1 [hbm4b:s16+s17], $0x2800, $0x38;
	[tilespmem:$0x1F080] =	vst v63  }
0xb0: {  	s17 =	simm.s32 $0x6  }
0xb1: {  	[spmem:s2] =	stream.indirect.scatter.add.f32 [tilespmem:s25], [sflag:$0x6], $0x80, s5, s1, $0xb8;
	[tilespmem:$0x1F080] =	vst v63  }
.LBB2_11:
0xb2: {  	_ =	sfence.sel $0x180000  }
0xb3: {  	[bflag:$0x0] =	sbarrier.arrive $0xFFFF  }
0xb4: {  	_ =	strace $0x90000047  }
0xb5: {  	s0 =	stileid.u32;
	[bflag:$0x2] =	sbarrier.arrive $0xFFFF  }
0xb6: {  	p0 =	sne.s32 s0, $0x0;
	s0 =	rddreg [dreg:$0x4]  }
0xb7: {  	s0 =	sadd.s32 @!p0 $0x100000, s0  }
0xb8: {  	[sflag:s0] =	ssyncadd.tile.s32 @!p0 $0x1;
	_ =	shalt  }
.Lfunc_end2:
_tile_overlayer_lowered:
.L_overlay_start_2:
0xb9: {  	(tag) =	ssettag $0x2  }
0xba: {  	s0 =	rddreg [dreg:$0x0];
	s2 =	stileid.u32  }
0xbb: {  	s1 =	rddreg [dreg:$0x1];
	p0 =	sne.s32 s2, $0x0  }
0xbc: {  	s3 =	rddreg [dreg:$0x2];
	[bflag:$0x3] =	sbarrier.arrive $0xFFFF;
	s2 =	simm.s32 @!p0 $0x1C05  }
0xbd: {  	[timem:s3], [sflag:s2] =	dma.local @!p0 [hbm:s0], s1  }
0xbe: {  	s0 =	simm.s32 @!p0 $0x5  }
0xbf: {  	_ =	swait.ge @!p0 [sflag:s0], s1  }
0xc0: {  	s1 =	ssub.s32 @!p0 $0x0, s1;
	[sflag:s0] =	ssyncset.done @!p0 $0x0  }
0xc1: {  	[sflag:s0] =	ssyncadd.s32 @!p0 s1  }
0xc2: {  	[bflag:$0x3] =	sbarrier.arrive $0xFFFF  }
0xc3: {  	_ =	shalt  }

</sc_bundles>
